<compile_context>
chip_gen: v7x
topology: tpu7x:2x2x1
jax: 0.10.2.dev20260603
libtpu: 0.0.44.dev20260713+nightly
codegen_flags: <defaults>
</compile_context>

<pallas_src>
import jax
import jax.numpy as jnp
from jax import lax
from jax.experimental import pallas as pl
from jax.experimental.pallas import tpu as pltpu
from jax.experimental.pallas import tpu_sc as plsc

CUTOFF = 5.0
KB = 10000
LANES = 16
TC_BLK = 128000


def _splat(x, dtype=jnp.float32):
    return lax.broadcast_in_dim(jnp.asarray(x, dtype), (LANES,), ())


def _num_workers():
    try:
        info = plsc.get_sparse_core_info()
        return info.num_cores, info.num_subcores
    except Exception:
        return 2, 16


def _make_splitter(e_in):
    grid = pl.cdiv(e_in, TC_BLK)

    def split_body(vt_ref, p0_ref, p1_ref, p2_ref):
        x = vt_ref[...]
        p0_ref[...] = x[0]
        p1_ref[...] = x[1]
        p2_ref[...] = x[2]

    return pl.pallas_call(
        split_body,
        grid=(grid,),
        in_specs=[pl.BlockSpec((3, TC_BLK), lambda i: (0, i))],
        out_specs=[
            pl.BlockSpec((TC_BLK,), lambda i: (i,)),
            pl.BlockSpec((TC_BLK,), lambda i: (i,)),
            pl.BlockSpec((TC_BLK,), lambda i: (i,)),
        ],
        out_shape=[jax.ShapeDtypeStruct((e_in,), jnp.float32)] * 3,
    )


def _make_merger(e_f, e_in):
    grid = pl.cdiv(e_f, TC_BLK)

    def merge_body(v0_ref, v1_ref, v2_ref, d_ref, i_ref, vt_ref, df_ref,
                   sw_ref, m_ref):
        oob = i_ref[...] >= e_in
        v = jnp.stack([v0_ref[...], v1_ref[...], v2_ref[...]], axis=0)
        vt_ref[...] = jnp.where(oob[None, :], CUTOFF, v)
        d = jnp.where(oob, CUTOFF, d_ref[...])
        df_ref[...] = d
        edge = d < CUTOFF
        sw = 0.5 * jnp.cos(jnp.pi * (d * (1.0 / CUTOFF))) + 0.5
        sw_ref[...] = jnp.where(edge, sw, 0.0)
        m_ref[...] = edge

    return pl.pallas_call(
        merge_body,
        grid=(grid,),
        in_specs=[pl.BlockSpec((TC_BLK,), lambda i: (i,))] * 5,
        out_specs=[
            pl.BlockSpec((3, TC_BLK), lambda i: (0, i)),
            pl.BlockSpec((TC_BLK,), lambda i: (i,)),
            pl.BlockSpec((TC_BLK,), lambda i: (i,)),
            pl.BlockSpec((TC_BLK,), lambda i: (i,)),
        ],
        out_shape=[
            jax.ShapeDtypeStruct((3, e_f), jnp.float32),
            jax.ShapeDtypeStruct((e_f,), jnp.float32),
            jax.ShapeDtypeStruct((e_f,), jnp.float32),
            jax.ShapeDtypeStruct((e_f,), jnp.bool_),
        ],
    )


def _make_sc_gather(e_in, e_f, nst):
    nc, ns = _num_workers()
    nw = nc * ns
    assert e_f % KB == 0, e_f
    nblk = e_f // KB
    tmax = pl.cdiv(nblk, nw)
    ngrp = KB // LANES
    assert tmax % 2 == 0, tmax

    def body(*args):
        srcs = args[:nst]
        fidx_hbm = args[nst]
        outs = args[nst + 1:2 * nst + 1]
        scr = args[2 * nst + 1:]
        idx_b = scr[0:2]
        cidx_b = scr[2:4]
        data = scr[4:4 + 2 * nst]
        sem_g = scr[4 + 2 * nst:6 + 2 * nst]
        sem_w = scr[6 + 2 * nst:8 + 2 * nst]
        wid = lax.axis_index("s") * nc + lax.axis_index("c")
        e_in_v = _splat(e_in, jnp.int32)
        neg1 = _splat(-1, jnp.int32)
        bufs = tuple(
            tuple((data[s * nst + k], outs[k]) for k in range(nst))
            for s in (0, 1))
        gsrc = tuple(
            tuple((data[s * nst + k], srcs[k]) for k in range(nst))
            for s in (0, 1))

        def stage_in(t, si, drain):
            b = wid + nw * t

            @pl.when(b < nblk)
            def _():
                base = b * KB
                pltpu.sync_copy(fidx_hbm.at[pl.ds(base, KB)], idx_b[si])

                def clamp_body(j, c):
                    s16 = pl.ds(j * LANES, LANES)
                    iv = idx_b[si][s16]
                    cidx_b[si][s16] = jnp.where(iv < e_in_v, iv, neg1)
                    return c

                lax.fori_loop(0, ngrp, clamp_body, 0)
                if drain:

                    @pl.when(t >= 2)
                    def _():
                        for buf, hb in bufs[si]:
                            pltpu.make_async_copy(
                                buf, hb.at[pl.ds(base, KB)],
                                sem_w[si]).wait()

                idx = plsc.Indices(cidx_b[si], ignored_value=-1)
                for buf, hb in gsrc[si]:
                    pltpu.async_copy(hb.at[idx], buf, sem_g[si])

        def stage_out(t, so):
            b = wid + nw * t

            @pl.when(b < nblk)
            def _():
                base = b * KB
                idx = plsc.Indices(cidx_b[so], ignored_value=-1)
                for buf, hb in gsrc[so]:
                    pltpu.make_async_copy(hb.at[idx], buf,
                                          sem_g[so]).wait()

                @pl.when(b + 2 * nw < nblk)
                def _():
                    for buf, hb in bufs[so]:
                        pltpu.async_copy(buf, hb.at[pl.ds(base, KB)],
                                         sem_w[so])

                @pl.when(b + 2 * nw >= nblk)
                def _():
                    for buf, hb in bufs[so]:
                        pltpu.sync_copy(buf, hb.at[pl.ds(base, KB)])

        stage_in(jnp.int32(0), 0, drain=False)

        def g_body(g, carry):
            for tt in range(2):
                t = 2 * g + tt
                stage_in(t + 1, 1 - tt, drain=True)
                stage_out(t, tt)
            return carry

        lax.fori_loop(0, tmax // 2, g_body, 0)

    mesh = plsc.VectorSubcoreMesh(core_axis_name="c", subcore_axis_name="s")
    return pl.kernel(
        body,
        out_type=(jax.ShapeDtypeStruct((e_f,), jnp.float32),) * nst,
        mesh=mesh,
        compiler_params=pltpu.CompilerParams(needs_layout_passes=False),
        scratch_types=(
            [pltpu.VMEM((KB,), jnp.int32)] * 4
            + [pltpu.VMEM((KB,), jnp.float32)] * (2 * nst)
            + [pltpu.SemaphoreType.DMA] * 4
        ),
    )


def kernel(vec, distances, filter_indices):
    e_in = vec.shape[0]
    e_f = filter_indices.shape[0]
    (dist_g,) = _make_sc_gather(e_in, e_f, 1)(distances, filter_indices)
    p0, p1, p2 = _make_splitter(e_in)(vec.T)
    vf0, vf1, vf2 = _make_sc_gather(e_in, e_f, 3)(p0, p1, p2,
                                                  filter_indices)
    vecf_t, dist_f, switch, mask = _make_merger(e_f, e_in)(
        vf0, vf1, vf2, dist_g, filter_indices)
    return vecf_t.T, dist_f, switch, mask

# --- scband reference (transcript-rebuilt; emitter-appended) ---
"""Pipeline reference for scband-graph-filter-processor-17721035063581 (READ-ONLY COPY).

The authoritative reference and input builder live on the scoring server;
editing this copy changes nothing except your own understanding.
"""

import jax, jax.numpy as jnp
import numpy as np

CUTOFF = 5.0
E_IN = 6400000
E_F = 3200000
IDX_MAX = 6720000  # ~5% of indices are out-of-range to exercise mode='fill'


def setup_inputs(seed: int = 0) -> dict:
    key = jax.random.key(seed)
    k1, k2, k3 = jax.random.split(key, 3)
    vec = jax.random.normal(k1, (E_IN, 3), dtype=jnp.float32)
    # distances in [0, 1.2*cutoff] so edge_mask is nontrivial
    distances = jax.random.uniform(k2, (E_IN,), dtype=jnp.float32) * (CUTOFF * 1.2)
    filter_indices = jax.random.randint(k3, (E_F,), 0, IDX_MAX, dtype=jnp.int32)
    return {"vec": vec, "distances": distances, "filter_indices": filter_indices}


def reference(vec, distances, filter_indices):
    # GraphFilterProcessor.__call__ with graph_key='graph', graph_out='graph_filtered'.
    # Gather source-graph edge data at filter_indices; out-of-range indices are
    # filled with the cutoff value (FeNNol padding convention).
    cutoff = CUTOFF
    vec_f = vec.at[filter_indices].get(mode='fill', fill_value=cutoff)
    dist_f = distances.at[filter_indices].get(mode='fill', fill_value=cutoff)
    # SwitchFunction (default FeNNol cosine switch, switch_start=0, graph_key=None):
    edge_mask = dist_f < cutoff
    x = dist_f * (1.0 / cutoff)
    switch = jnp.where(edge_mask, 0.5 * jnp.cos(jnp.pi * x) + 0.5, 0.0)
    # Output graph dict fields as a tuple: (vec, distances, switch, edge_mask)
    return vec_f, dist_f, switch, edge_mask

if __name__ == "__main__":
    import jax
    _d = setup_inputs()
    print(jax.jit(kernel)(*tuple(_d.values())))

</pallas_src>

<mosaic_0001>
#map = affine_map<(d0, d1) -> (0)>
module attributes {stable_mosaic.version = 14 : i64} {
  func.func @body(%arg0: i32, %arg1: i32, %arg2: memref<6400000xf32, #tpu.memory_space<hbm>>, %arg3: memref<6400000xf32, #tpu.memory_space<hbm>>, %arg4: memref<6400000xf32, #tpu.memory_space<hbm>>, %arg5: memref<3200000xi32, #tpu.memory_space<hbm>>, %arg6: memref<3200000xf32, #tpu.memory_space<hbm>>, %arg7: memref<3200000xf32, #tpu.memory_space<hbm>>, %arg8: memref<3200000xf32, #tpu.memory_space<hbm>>, %arg9: memref<10000xi32, #tpu.memory_space<vmem>>, %arg10: memref<10000xi32, #tpu.memory_space<vmem>>, %arg11: memref<10000xi32, #tpu.memory_space<vmem>>, %arg12: memref<10000xi32, #tpu.memory_space<vmem>>, %arg13: memref<10000xf32, #tpu.memory_space<vmem>>, %arg14: memref<10000xf32, #tpu.memory_space<vmem>>, %arg15: memref<10000xf32, #tpu.memory_space<vmem>>, %arg16: memref<10000xf32, #tpu.memory_space<vmem>>, %arg17: memref<10000xf32, #tpu.memory_space<vmem>>, %arg18: memref<10000xf32, #tpu.memory_space<vmem>>, %arg19: memref<!tpu.dma_semaphore, #tpu.memory_space<semaphore_mem>>, %arg20: memref<!tpu.dma_semaphore, #tpu.memory_space<semaphore_mem>>, %arg21: memref<!tpu.dma_semaphore, #tpu.memory_space<semaphore_mem>>, %arg22: memref<!tpu.dma_semaphore, #tpu.memory_space<semaphore_mem>>) attributes {dimension_semantics = [#tpu.dimension_semantics<core_parallel>, #tpu.dimension_semantics<subcore_parallel>], iteration_bounds = array<i64: 2, 16>, scalar_prefetch = 0 : i64, scratch_operands = 14 : i64, tpu.core_type = #tpu.core_type<sc_vector_subcore>, window_params = [{transform_indices = #map}, {transform_indices = #map}, {transform_indices = #map}, {transform_indices = #map}, {transform_indices = #map}, {transform_indices = #map}, {transform_indices = #map}]} {
    %mul3A = arith.constant 2 : i32
    %mul3A_0 = arith.muli %arg1, %mul3A : i32
    %add3A = arith.addi %mul3A_0, %arg0 : i32
    %broadcast_in_dim3A = arith.constant 6400000 : i32
    %broadcast_in_dim3A_1 = vector.broadcast %broadcast_in_dim3A : i32 to vector<16xi32>
    %broadcast_in_dim3A_2 = arith.constant -1 : i32
    %broadcast_in_dim3A_3 = vector.broadcast %broadcast_in_dim3A_2 : i32 to vector<16xi32>
    %mul3A_4 = arith.constant 32 : i32
    %mul3A_5 = arith.constant 0 : i32
    %mul3A_6 = arith.muli %mul3A_4, %mul3A_5 : i32
    %add3A_7 = arith.addi %add3A, %mul3A_6 : i32
    %lt3A = arith.constant 320 : i32
    %lt3A_8 = arith.cmpi slt, %add3A_7, %lt3A : i32
    %convert_element_type3A = arith.extui %lt3A_8 : i1 to i32
    %cond3A = arith.constant 0 : i32
    %cond3A_9 = arith.cmpi ne, %convert_element_type3A, %cond3A : i32
    scf.if %cond3A_9 {
      %mul3A_15 = arith.constant 10000 : i32
      %mul3A_16 = arith.muli %add3A_7, %mul3A_15 : i32
      "tpu.region"() ({
        %run_scoped3A = tpu.sem_alloc : memref<!tpu.dma_semaphore, #tpu.memory_space<semaphore_mem>>
        %dma_start3A_31 = tpu.memref_slice %arg5[%mul3A_16] : memref<3200000xi32, #tpu.memory_space<hbm>> -> memref<10000xi32, #tpu.memory_space<hbm>>
        %dma_start3A_32 = tpu.memref_slice %arg5[%mul3A_16] : memref<3200000xi32, #tpu.memory_space<hbm>> -> memref<10000xi32, #tpu.memory_space<hbm>>
        tpu.enqueue_dma source(%dma_start3A_32 : memref<10000xi32, #tpu.memory_space<hbm>>) target(%arg9 : memref<10000xi32, #tpu.memory_space<vmem>>) target_semaphore(%run_scoped3A : memref<!tpu.dma_semaphore, #tpu.memory_space<semaphore_mem>>)
        %dma_wait3A = tpu.memref_slice %arg5[%mul3A_16] : memref<3200000xi32, #tpu.memory_space<hbm>> -> memref<10000xi32, #tpu.memory_space<hbm>>
        %dma_wait3A_33 = tpu.memref_slice %arg5[%mul3A_16] : memref<3200000xi32, #tpu.memory_space<hbm>> -> memref<10000xi32, #tpu.memory_space<hbm>>
        tpu.wait_dma2 semaphore(%run_scoped3A : memref<!tpu.dma_semaphore, #tpu.memory_space<semaphore_mem>>) src(%dma_wait3A_33 : memref<10000xi32, #tpu.memory_space<hbm>>) dst(%arg9 : memref<10000xi32, #tpu.memory_space<vmem>>)
        tpu.yield
      }) : () -> ()
      %scan3A_17 = arith.constant 0 : i32
      %scan3A_18 = arith.constant 0 : i32
      %scan3A_19 = arith.constant 625 : i32
      %scan3A_20 = arith.addi %scan3A_18, %scan3A_19 : i32
      %scan3A_21 = arith.constant 1 : i32
      scf.for %scan3A_31 = %scan3A_18 to %scan3A_20 step %scan3A_21  : i32 {
        %mul3A_32 = arith.constant 16 : i32
        %mul3A_33 = arith.muli %scan3A_31, %mul3A_32 : i32
        %get3A = arith.index_cast %mul3A_33 : i32 to index
        %get3A_34 = tpu.vector_load %arg9[%get3A] {strides = array<i32>} : memref<10000xi32, #tpu.memory_space<vmem>>, vector<16xi32>,
        %lt3A_35 = arith.cmpi slt, %get3A_34, %broadcast_in_dim3A_1 : vector<16xi32>
        %select_n3A = arith.select %lt3A_35, %get3A_34, %broadcast_in_dim3A_3 : vector<16xi1>, vector<16xi32>
        %swap3A = arith.index_cast %mul3A_33 : i32 to index
        %swap3A_36 = tpu.vector_load %arg11[%swap3A] {strides = array<i32>} : memref<10000xi32, #tpu.memory_space<vmem>>, vector<16xi32>,
        tpu.vector_store %arg11[%swap3A], %select_n3A {strides = array<i32>} : memref<10000xi32, #tpu.memory_space<vmem>>, vector<16xi32>,
      }
      %scan3A_22 = arith.constant 625 : i32
      %dma_start3A = arith.constant 0 : i32
      %dma_start3A_23 = tpu.memref_slice %arg2[%dma_start3A] : memref<6400000xf32, #tpu.memory_space<hbm>> -> memref<6400000xf32, #tpu.memory_space<hbm>>
      %dma_start3A_24 = arith.constant -1 : i32
      tpu.enqueue_indirect_dma source(%dma_start3A_23 : memref<6400000xf32, #tpu.memory_space<hbm>>) target(%arg13 : memref<10000xf32, #tpu.memory_space<vmem>>) offsets(%arg11 : memref<10000xi32, #tpu.memory_space<vmem>>) offset_filter(%dma_start3A_24) semaphore(%arg19 : memref<!tpu.dma_semaphore, #tpu.memory_space<semaphore_mem>>)
      %dma_start3A_25 = arith.constant 0 : i32
      %dma_start3A_26 = tpu.memref_slice %arg3[%dma_start3A_25] : memref<6400000xf32, #tpu.memory_space<hbm>> -> memref<6400000xf32, #tpu.memory_space<hbm>>
      %dma_start3A_27 = arith.constant -1 : i32
      tpu.enqueue_indirect_dma source(%dma_start3A_26 : memref<6400000xf32, #tpu.memory_space<hbm>>) target(%arg14 : memref<10000xf32, #tpu.memory_space<vmem>>) offsets(%arg11 : memref<10000xi32, #tpu.memory_space<vmem>>) offset_filter(%dma_start3A_27) semaphore(%arg19 : memref<!tpu.dma_semaphore, #tpu.memory_space<semaphore_mem>>)
      %dma_start3A_28 = arith.constant 0 : i32
      %dma_start3A_29 = tpu.memref_slice %arg4[%dma_start3A_28] : memref<6400000xf32, #tpu.memory_space<hbm>> -> memref<6400000xf32, #tpu.memory_space<hbm>>
      %dma_start3A_30 = arith.constant -1 : i32
      tpu.enqueue_indirect_dma source(%dma_start3A_29 : memref<6400000xf32, #tpu.memory_space<hbm>>) target(%arg15 : memref<10000xf32, #tpu.memory_space<vmem>>) offsets(%arg11 : memref<10000xi32, #tpu.memory_space<vmem>>) offset_filter(%dma_start3A_30) semaphore(%arg19 : memref<!tpu.dma_semaphore, #tpu.memory_space<semaphore_mem>>)
    } else {
    }
    %scan3A = arith.constant 0 : i32
    %scan3A_10 = arith.constant 0 : i32
    %scan3A_11 = arith.constant 5 : i32
    %scan3A_12 = arith.addi %scan3A_10, %scan3A_11 : i32
    %scan3A_13 = arith.constant 1 : i32
    scf.for %scan3A_15 = %scan3A_10 to %scan3A_12 step %scan3A_13  : i32 {
      %mul3A_16 = arith.constant 2 : i32
      %mul3A_17 = arith.muli %mul3A_16, %scan3A_15 : i32
      %add3A_18 = arith.constant 0 : i32
      %add3A_19 = arith.addi %mul3A_17, %add3A_18 : i32
      %add3A_20 = arith.constant 1 : i32
      %add3A_21 = arith.addi %add3A_19, %add3A_20 : i32
      %mul3A_22 = arith.constant 32 : i32
      %mul3A_23 = arith.muli %mul3A_22, %add3A_21 : i32
      %add3A_24 = arith.addi %add3A, %mul3A_23 : i32
      %lt3A_25 = arith.constant 320 : i32
      %lt3A_26 = arith.cmpi slt, %add3A_24, %lt3A_25 : i32
      %convert_element_type3A_27 = arith.extui %lt3A_26 : i1 to i32
      %cond3A_28 = arith.constant 0 : i32
      %cond3A_29 = arith.cmpi ne, %convert_element_type3A_27, %cond3A_28 : i32
      scf.if %cond3A_29 {
        %mul3A_60 = arith.constant 10000 : i32
        %mul3A_61 = arith.muli %add3A_24, %mul3A_60 : i32
        "tpu.region"() ({
          %run_scoped3A = tpu.sem_alloc : memref<!tpu.dma_semaphore, #tpu.memory_space<semaphore_mem>>
          %dma_start3A_80 = tpu.memref_slice %arg5[%mul3A_61] : memref<3200000xi32, #tpu.memory_space<hbm>> -> memref<10000xi32, #tpu.memory_space<hbm>>
          %dma_start3A_81 = tpu.memref_slice %arg5[%mul3A_61] : memref<3200000xi32, #tpu.memory_space<hbm>> -> memref<10000xi32, #tpu.memory_space<hbm>>
          tpu.enqueue_dma source(%dma_start3A_81 : memref<10000xi32, #tpu.memory_space<hbm>>) target(%arg10 : memref<10000xi32, #tpu.memory_space<vmem>>) target_semaphore(%run_scoped3A : memref<!tpu.dma_semaphore, #tpu.memory_space<semaphore_mem>>)
          %dma_wait3A = tpu.memref_slice %arg5[%mul3A_61] : memref<3200000xi32, #tpu.memory_space<hbm>> -> memref<10000xi32, #tpu.memory_space<hbm>>
          %dma_wait3A_82 = tpu.memref_slice %arg5[%mul3A_61] : memref<3200000xi32, #tpu.memory_space<hbm>> -> memref<10000xi32, #tpu.memory_space<hbm>>
          tpu.wait_dma2 semaphore(%run_scoped3A : memref<!tpu.dma_semaphore, #tpu.memory_space<semaphore_mem>>) src(%dma_wait3A_82 : memref<10000xi32, #tpu.memory_space<hbm>>) dst(%arg10 : memref<10000xi32, #tpu.memory_space<vmem>>)
          tpu.yield
        }) : () -> ()
        %scan3A_62 = arith.constant 0 : i32
        %scan3A_63 = arith.constant 0 : i32
        %scan3A_64 = arith.constant 625 : i32
        %scan3A_65 = arith.addi %scan3A_63, %scan3A_64 : i32
        %scan3A_66 = arith.constant 1 : i32
        scf.for %scan3A_80 = %scan3A_63 to %scan3A_65 step %scan3A_66  : i32 {
          %mul3A_81 = arith.constant 16 : i32
          %mul3A_82 = arith.muli %scan3A_80, %mul3A_81 : i32
          %get3A = arith.index_cast %mul3A_82 : i32 to index
          %get3A_83 = tpu.vector_load %arg10[%get3A] {strides = array<i32>} : memref<10000xi32, #tpu.memory_space<vmem>>, vector<16xi32>,
          %lt3A_84 = arith.cmpi slt, %get3A_83, %broadcast_in_dim3A_1 : vector<16xi32>
          %select_n3A = arith.select %lt3A_84, %get3A_83, %broadcast_in_dim3A_3 : vector<16xi1>, vector<16xi32>
          %swap3A = arith.index_cast %mul3A_82 : i32 to index
          %swap3A_85 = tpu.vector_load %arg12[%swap3A] {strides = array<i32>} : memref<10000xi32, #tpu.memory_space<vmem>>, vector<16xi32>,
          tpu.vector_store %arg12[%swap3A], %select_n3A {strides = array<i32>} : memref<10000xi32, #tpu.memory_space<vmem>>, vector<16xi32>,
        }
        %scan3A_67 = arith.constant 625 : i32
        %ge3A = arith.constant 2 : i32
        %ge3A_68 = arith.cmpi sge, %add3A_21, %ge3A : i32
        %convert_element_type3A_69 = arith.extui %ge3A_68 : i1 to i32
        %cond3A_70 = arith.constant 0 : i32
        %cond3A_71 = arith.cmpi ne, %convert_element_type3A_69, %cond3A_70 : i32
        scf.if %cond3A_71 {
          %dma_wait3A = tpu.memref_slice %arg6[%mul3A_61] : memref<3200000xf32, #tpu.memory_space<hbm>> -> memref<10000xf32, #tpu.memory_space<hbm>>
          %dma_wait3A_80 = tpu.memref_slice %arg6[%mul3A_61] : memref<3200000xf32, #tpu.memory_space<hbm>> -> memref<10000xf32, #tpu.memory_space<hbm>>
          tpu.wait_dma2 semaphore(%arg22 : memref<!tpu.dma_semaphore, #tpu.memory_space<semaphore_mem>>) src(%arg16 : memref<10000xf32, #tpu.memory_space<vmem>>) dst(%dma_wait3A_80 : memref<10000xf32, #tpu.memory_space<hbm>>)
          %dma_wait3A_81 = tpu.memref_slice %arg7[%mul3A_61] : memref<3200000xf32, #tpu.memory_space<hbm>> -> memref<10000xf32, #tpu.memory_space<hbm>>
          %dma_wait3A_82 = tpu.memref_slice %arg7[%mul3A_61] : memref<3200000xf32, #tpu.memory_space<hbm>> -> memref<10000xf32, #tpu.memory_space<hbm>>
          tpu.wait_dma2 semaphore(%arg22 : memref<!tpu.dma_semaphore, #tpu.memory_space<semaphore_mem>>) src(%arg17 : memref<10000xf32, #tpu.memory_space<vmem>>) dst(%dma_wait3A_82 : memref<10000xf32, #tpu.memory_space<hbm>>)
          %dma_wait3A_83 = tpu.memref_slice %arg8[%mul3A_61] : memref<3200000xf32, #tpu.memory_space<hbm>> -> memref<10000xf32, #tpu.memory_space<hbm>>
          %dma_wait3A_84 = tpu.memref_slice %arg8[%mul3A_61] : memref<3200000xf32, #tpu.memory_space<hbm>> -> memref<10000xf32, #tpu.memory_space<hbm>>
          tpu.wait_dma2 semaphore(%arg22 : memref<!tpu.dma_semaphore, #tpu.memory_space<semaphore_mem>>) src(%arg18 : memref<10000xf32, #tpu.memory_space<vmem>>) dst(%dma_wait3A_84 : memref<10000xf32, #tpu.memory_space<hbm>>)
        } else {
        }
        %dma_start3A = arith.constant 0 : i32
        %dma_start3A_72 = tpu.memref_slice %arg2[%dma_start3A] : memref<6400000xf32, #tpu.memory_space<hbm>> -> memref<6400000xf32, #tpu.memory_space<hbm>>
        %dma_start3A_73 = arith.constant -1 : i32
        tpu.enqueue_indirect_dma source(%dma_start3A_72 : memref<6400000xf32, #tpu.memory_space<hbm>>) target(%arg16 : memref<10000xf32, #tpu.memory_space<vmem>>) offsets(%arg12 : memref<10000xi32, #tpu.memory_space<vmem>>) offset_filter(%dma_start3A_73) semaphore(%arg20 : memref<!tpu.dma_semaphore, #tpu.memory_space<semaphore_mem>>)
        %dma_start3A_74 = arith.constant 0 : i32
        %dma_start3A_75 = tpu.memref_slice %arg3[%dma_start3A_74] : memref<6400000xf32, #tpu.memory_space<hbm>> -> memref<6400000xf32, #tpu.memory_space<hbm>>
        %dma_start3A_76 = arith.constant -1 : i32
        tpu.enqueue_indirect_dma source(%dma_start3A_75 : memref<6400000xf32, #tpu.memory_space<hbm>>) target(%arg17 : memref<10000xf32, #tpu.memory_space<vmem>>) offsets(%arg12 : memref<10000xi32, #tpu.memory_space<vmem>>) offset_filter(%dma_start3A_76) semaphore(%arg20 : memref<!tpu.dma_semaphore, #tpu.memory_space<semaphore_mem>>)
        %dma_start3A_77 = arith.constant 0 : i32
        %dma_start3A_78 = tpu.memref_slice %arg4[%dma_start3A_77] : memref<6400000xf32, #tpu.memory_space<hbm>> -> memref<6400000xf32, #tpu.memory_space<hbm>>
        %dma_start3A_79 = arith.constant -1 : i32
        tpu.enqueue_indirect_dma source(%dma_start3A_78 : memref<6400000xf32, #tpu.memory_space<hbm>>) target(%arg18 : memref<10000xf32, #tpu.memory_space<vmem>>) offsets(%arg12 : memref<10000xi32, #tpu.memory_space<vmem>>) offset_filter(%dma_start3A_79) semaphore(%arg20 : memref<!tpu.dma_semaphore, #tpu.memory_space<semaphore_mem>>)
      } else {
      }
      %mul3A_30 = arith.constant 32 : i32
      %mul3A_31 = arith.muli %mul3A_30, %add3A_19 : i32
      %add3A_32 = arith.addi %add3A, %mul3A_31 : i32
      %lt3A_33 = arith.constant 320 : i32
      %lt3A_34 = arith.cmpi slt, %add3A_32, %lt3A_33 : i32
      %convert_element_type3A_35 = arith.extui %lt3A_34 : i1 to i32
      %cond3A_36 = arith.constant 0 : i32
      %cond3A_37 = arith.cmpi ne, %convert_element_type3A_35, %cond3A_36 : i32
      scf.if %cond3A_37 {
        %mul3A_60 = arith.constant 10000 : i32
        %mul3A_61 = arith.muli %add3A_32, %mul3A_60 : i32
        %dma_wait3A = arith.constant 0 : i32
        %dma_wait3A_62 = tpu.memref_slice %arg2[%dma_wait3A] : memref<6400000xf32, #tpu.memory_space<hbm>> -> memref<6400000xf32, #tpu.memory_space<hbm>>
        tpu.wait_indirect_dma semaphore(%arg19 : memref<!tpu.dma_semaphore, #tpu.memory_space<semaphore_mem>>) src(%dma_wait3A_62 : memref<6400000xf32, #tpu.memory_space<hbm>>) dst(%arg13 : memref<10000xf32, #tpu.memory_space<vmem>>)
        %dma_wait3A_63 = arith.constant 0 : i32
        %dma_wait3A_64 = tpu.memref_slice %arg3[%dma_wait3A_63] : memref<6400000xf32, #tpu.memory_space<hbm>> -> memref<6400000xf32, #tpu.memory_space<hbm>>
        tpu.wait_indirect_dma semaphore(%arg19 : memref<!tpu.dma_semaphore, #tpu.memory_space<semaphore_mem>>) src(%dma_wait3A_64 : memref<6400000xf32, #tpu.memory_space<hbm>>) dst(%arg14 : memref<10000xf32, #tpu.memory_space<vmem>>)
        %dma_wait3A_65 = arith.constant 0 : i32
        %dma_wait3A_66 = tpu.memref_slice %arg4[%dma_wait3A_65] : memref<6400000xf32, #tpu.memory_space<hbm>> -> memref<6400000xf32, #tpu.memory_space<hbm>>
        tpu.wait_indirect_dma semaphore(%arg19 : memref<!tpu.dma_semaphore, #tpu.memory_space<semaphore_mem>>) src(%dma_wait3A_66 : memref<6400000xf32, #tpu.memory_space<hbm>>) dst(%arg15 : memref<10000xf32, #tpu.memory_space<vmem>>)
        %add3A_67 = arith.constant 64 : i32
        %add3A_68 = arith.addi %add3A_32, %add3A_67 : i32
        %lt3A_69 = arith.constant 320 : i32
        %lt3A_70 = arith.cmpi slt, %add3A_68, %lt3A_69 : i32
        %convert_element_type3A_71 = arith.extui %lt3A_70 : i1 to i32
        %cond3A_72 = arith.constant 0 : i32
        %cond3A_73 = arith.cmpi ne, %convert_element_type3A_71, %cond3A_72 : i32
        scf.if %cond3A_73 {
          %dma_start3A = tpu.memref_slice %arg6[%mul3A_61] : memref<3200000xf32, #tpu.memory_space<hbm>> -> memref<10000xf32, #tpu.memory_space<hbm>>
          %dma_start3A_80 = tpu.memref_slice %arg6[%mul3A_61] : memref<3200000xf32, #tpu.memory_space<hbm>> -> memref<10000xf32, #tpu.memory_space<hbm>>
          tpu.enqueue_dma source(%arg13 : memref<10000xf32, #tpu.memory_space<vmem>>) target(%dma_start3A_80 : memref<10000xf32, #tpu.memory_space<hbm>>) target_semaphore(%arg21 : memref<!tpu.dma_semaphore, #tpu.memory_space<semaphore_mem>>)
          %dma_start3A_81 = tpu.memref_slice %arg7[%mul3A_61] : memref<3200000xf32, #tpu.memory_space<hbm>> -> memref<10000xf32, #tpu.memory_space<hbm>>
          %dma_start3A_82 = tpu.memref_slice %arg7[%mul3A_61] : memref<3200000xf32, #tpu.memory_space<hbm>> -> memref<10000xf32, #tpu.memory_space<hbm>>
          tpu.enqueue_dma source(%arg14 : memref<10000xf32, #tpu.memory_space<vmem>>) target(%dma_start3A_82 : memref<10000xf32, #tpu.memory_space<hbm>>) target_semaphore(%arg21 : memref<!tpu.dma_semaphore, #tpu.memory_space<semaphore_mem>>)
          %dma_start3A_83 = tpu.memref_slice %arg8[%mul3A_61] : memref<3200000xf32, #tpu.memory_space<hbm>> -> memref<10000xf32, #tpu.memory_space<hbm>>
          %dma_start3A_84 = tpu.memref_slice %arg8[%mul3A_61] : memref<3200000xf32, #tpu.memory_space<hbm>> -> memref<10000xf32, #tpu.memory_space<hbm>>
          tpu.enqueue_dma source(%arg15 : memref<10000xf32, #tpu.memory_space<vmem>>) target(%dma_start3A_84 : memref<10000xf32, #tpu.memory_space<hbm>>) target_semaphore(%arg21 : memref<!tpu.dma_semaphore, #tpu.memory_space<semaphore_mem>>)
        } else {
        }
        %add3A_74 = arith.constant 64 : i32
        %add3A_75 = arith.addi %add3A_32, %add3A_74 : i32
        %ge3A = arith.constant 320 : i32
        %ge3A_76 = arith.cmpi sge, %add3A_75, %ge3A : i32
        %convert_element_type3A_77 = arith.extui %ge3A_76 : i1 to i32
        %cond3A_78 = arith.constant 0 : i32
        %cond3A_79 = arith.cmpi ne, %convert_element_type3A_77, %cond3A_78 : i32
        scf.if %cond3A_79 {
          "tpu.region"() ({
            %run_scoped3A = tpu.sem_alloc : memref<!tpu.dma_semaphore, #tpu.memory_space<semaphore_mem>>
            %dma_start3A = tpu.memref_slice %arg6[%mul3A_61] : memref<3200000xf32, #tpu.memory_space<hbm>> -> memref<10000xf32, #tpu.memory_space<hbm>>
            %dma_start3A_80 = tpu.memref_slice %arg6[%mul3A_61] : memref<3200000xf32, #tpu.memory_space<hbm>> -> memref<10000xf32, #tpu.memory_space<hbm>>
            tpu.enqueue_dma source(%arg13 : memref<10000xf32, #tpu.memory_space<vmem>>) target(%dma_start3A_80 : memref<10000xf32, #tpu.memory_space<hbm>>) target_semaphore(%run_scoped3A : memref<!tpu.dma_semaphore, #tpu.memory_space<semaphore_mem>>)
            %dma_wait3A_81 = tpu.memref_slice %arg6[%mul3A_61] : memref<3200000xf32, #tpu.memory_space<hbm>> -> memref<10000xf32, #tpu.memory_space<hbm>>
            %dma_wait3A_82 = tpu.memref_slice %arg6[%mul3A_61] : memref<3200000xf32, #tpu.memory_space<hbm>> -> memref<10000xf32, #tpu.memory_space<hbm>>
            tpu.wait_dma2 semaphore(%run_scoped3A : memref<!tpu.dma_semaphore, #tpu.memory_space<semaphore_mem>>) src(%arg13 : memref<10000xf32, #tpu.memory_space<vmem>>) dst(%dma_wait3A_82 : memref<10000xf32, #tpu.memory_space<hbm>>)
            tpu.yield
          }) : () -> ()
          "tpu.region"() ({
            %run_scoped3A = tpu.sem_alloc : memref<!tpu.dma_semaphore, #tpu.memory_space<semaphore_mem>>
            %dma_start3A = tpu.memref_slice %arg7[%mul3A_61] : memref<3200000xf32, #tpu.memory_space<hbm>> -> memref<10000xf32, #tpu.memory_space<hbm>>
            %dma_start3A_80 = tpu.memref_slice %arg7[%mul3A_61] : memref<3200000xf32, #tpu.memory_space<hbm>> -> memref<10000xf32, #tpu.memory_space<hbm>>
            tpu.enqueue_dma source(%arg14 : memref<10000xf32, #tpu.memory_space<vmem>>) target(%dma_start3A_80 : memref<10000xf32, #tpu.memory_space<hbm>>) target_semaphore(%run_scoped3A : memref<!tpu.dma_semaphore, #tpu.memory_space<semaphore_mem>>)
            %dma_wait3A_81 = tpu.memref_slice %arg7[%mul3A_61] : memref<3200000xf32, #tpu.memory_space<hbm>> -> memref<10000xf32, #tpu.memory_space<hbm>>
            %dma_wait3A_82 = tpu.memref_slice %arg7[%mul3A_61] : memref<3200000xf32, #tpu.memory_space<hbm>> -> memref<10000xf32, #tpu.memory_space<hbm>>
            tpu.wait_dma2 semaphore(%run_scoped3A : memref<!tpu.dma_semaphore, #tpu.memory_space<semaphore_mem>>) src(%arg14 : memref<10000xf32, #tpu.memory_space<vmem>>) dst(%dma_wait3A_82 : memref<10000xf32, #tpu.memory_space<hbm>>)
            tpu.yield
          }) : () -> ()
          "tpu.region"() ({
            %run_scoped3A = tpu.sem_alloc : memref<!tpu.dma_semaphore, #tpu.memory_space<semaphore_mem>>
            %dma_start3A = tpu.memref_slice %arg8[%mul3A_61] : memref<3200000xf32, #tpu.memory_space<hbm>> -> memref<10000xf32, #tpu.memory_space<hbm>>
            %dma_start3A_80 = tpu.memref_slice %arg8[%mul3A_61] : memref<3200000xf32, #tpu.memory_space<hbm>> -> memref<10000xf32, #tpu.memory_space<hbm>>
            tpu.enqueue_dma source(%arg15 : memref<10000xf32, #tpu.memory_space<vmem>>) target(%dma_start3A_80 : memref<10000xf32, #tpu.memory_space<hbm>>) target_semaphore(%run_scoped3A : memref<!tpu.dma_semaphore, #tpu.memory_space<semaphore_mem>>)
            %dma_wait3A_81 = tpu.memref_slice %arg8[%mul3A_61] : memref<3200000xf32, #tpu.memory_space<hbm>> -> memref<10000xf32, #tpu.memory_space<hbm>>
            %dma_wait3A_82 = tpu.memref_slice %arg8[%mul3A_61] : memref<3200000xf32, #tpu.memory_space<hbm>> -> memref<10000xf32, #tpu.memory_space<hbm>>
            tpu.wait_dma2 semaphore(%run_scoped3A : memref<!tpu.dma_semaphore, #tpu.memory_space<semaphore_mem>>) src(%arg15 : memref<10000xf32, #tpu.memory_space<vmem>>) dst(%dma_wait3A_82 : memref<10000xf32, #tpu.memory_space<hbm>>)
            tpu.yield
          }) : () -> ()
        } else {
        }
      } else {
      }
      %mul3A_38 = arith.constant 2 : i32
      %mul3A_39 = arith.muli %mul3A_38, %scan3A_15 : i32
      %add3A_40 = arith.constant 1 : i32
      %add3A_41 = arith.addi %mul3A_39, %add3A_40 : i32
      %add3A_42 = arith.constant 1 : i32
      %add3A_43 = arith.addi %add3A_41, %add3A_42 : i32
      %mul3A_44 = arith.constant 32 : i32
      %mul3A_45 = arith.muli %mul3A_44, %add3A_43 : i32
      %add3A_46 = arith.addi %add3A, %mul3A_45 : i32
      %lt3A_47 = arith.constant 320 : i32
      %lt3A_48 = arith.cmpi slt, %add3A_46, %lt3A_47 : i32
      %convert_element_type3A_49 = arith.extui %lt3A_48 : i1 to i32
      %cond3A_50 = arith.constant 0 : i32
      %cond3A_51 = arith.cmpi ne, %convert_element_type3A_49, %cond3A_50 : i32
      scf.if %cond3A_51 {
        %mul3A_60 = arith.constant 10000 : i32
        %mul3A_61 = arith.muli %add3A_46, %mul3A_60 : i32
        "tpu.region"() ({
          %run_scoped3A = tpu.sem_alloc : memref<!tpu.dma_semaphore, #tpu.memory_space<semaphore_mem>>
          %dma_start3A_80 = tpu.memref_slice %arg5[%mul3A_61] : memref<3200000xi32, #tpu.memory_space<hbm>> -> memref<10000xi32, #tpu.memory_space<hbm>>
          %dma_start3A_81 = tpu.memref_slice %arg5[%mul3A_61] : memref<3200000xi32, #tpu.memory_space<hbm>> -> memref<10000xi32, #tpu.memory_space<hbm>>
          tpu.enqueue_dma source(%dma_start3A_81 : memref<10000xi32, #tpu.memory_space<hbm>>) target(%arg9 : memref<10000xi32, #tpu.memory_space<vmem>>) target_semaphore(%run_scoped3A : memref<!tpu.dma_semaphore, #tpu.memory_space<semaphore_mem>>)
          %dma_wait3A = tpu.memref_slice %arg5[%mul3A_61] : memref<3200000xi32, #tpu.memory_space<hbm>> -> memref<10000xi32, #tpu.memory_space<hbm>>
          %dma_wait3A_82 = tpu.memref_slice %arg5[%mul3A_61] : memref<3200000xi32, #tpu.memory_space<hbm>> -> memref<10000xi32, #tpu.memory_space<hbm>>
          tpu.wait_dma2 semaphore(%run_scoped3A : memref<!tpu.dma_semaphore, #tpu.memory_space<semaphore_mem>>) src(%dma_wait3A_82 : memref<10000xi32, #tpu.memory_space<hbm>>) dst(%arg9 : memref<10000xi32, #tpu.memory_space<vmem>>)
          tpu.yield
        }) : () -> ()
        %scan3A_62 = arith.constant 0 : i32
        %scan3A_63 = arith.constant 0 : i32
        %scan3A_64 = arith.constant 625 : i32
        %scan3A_65 = arith.addi %scan3A_63, %scan3A_64 : i32
        %scan3A_66 = arith.constant 1 : i32
        scf.for %scan3A_80 = %scan3A_63 to %scan3A_65 step %scan3A_66  : i32 {
          %mul3A_81 = arith.constant 16 : i32
          %mul3A_82 = arith.muli %scan3A_80, %mul3A_81 : i32
          %get3A = arith.index_cast %mul3A_82 : i32 to index
          %get3A_83 = tpu.vector_load %arg9[%get3A] {strides = array<i32>} : memref<10000xi32, #tpu.memory_space<vmem>>, vector<16xi32>,
          %lt3A_84 = arith.cmpi slt, %get3A_83, %broadcast_in_dim3A_1 : vector<16xi32>
          %select_n3A = arith.select %lt3A_84, %get3A_83, %broadcast_in_dim3A_3 : vector<16xi1>, vector<16xi32>
          %swap3A = arith.index_cast %mul3A_82 : i32 to index
          %swap3A_85 = tpu.vector_load %arg11[%swap3A] {strides = array<i32>} : memref<10000xi32, #tpu.memory_space<vmem>>, vector<16xi32>,
          tpu.vector_store %arg11[%swap3A], %select_n3A {strides = array<i32>} : memref<10000xi32, #tpu.memory_space<vmem>>, vector<16xi32>,
        }
        %scan3A_67 = arith.constant 625 : i32
        %ge3A = arith.constant 2 : i32
        %ge3A_68 = arith.cmpi sge, %add3A_43, %ge3A : i32
        %convert_element_type3A_69 = arith.extui %ge3A_68 : i1 to i32
        %cond3A_70 = arith.constant 0 : i32
        %cond3A_71 = arith.cmpi ne, %convert_element_type3A_69, %cond3A_70 : i32
        scf.if %cond3A_71 {
          %dma_wait3A = tpu.memref_slice %arg6[%mul3A_61] : memref<3200000xf32, #tpu.memory_space<hbm>> -> memref<10000xf32, #tpu.memory_space<hbm>>
          %dma_wait3A_80 = tpu.memref_slice %arg6[%mul3A_61] : memref<3200000xf32, #tpu.memory_space<hbm>> -> memref<10000xf32, #tpu.memory_space<hbm>>
          tpu.wait_dma2 semaphore(%arg21 : memref<!tpu.dma_semaphore, #tpu.memory_space<semaphore_mem>>) src(%arg13 : memref<10000xf32, #tpu.memory_space<vmem>>) dst(%dma_wait3A_80 : memref<10000xf32, #tpu.memory_space<hbm>>)
          %dma_wait3A_81 = tpu.memref_slice %arg7[%mul3A_61] : memref<3200000xf32, #tpu.memory_space<hbm>> -> memref<10000xf32, #tpu.memory_space<hbm>>
          %dma_wait3A_82 = tpu.memref_slice %arg7[%mul3A_61] : memref<3200000xf32, #tpu.memory_space<hbm>> -> memref<10000xf32, #tpu.memory_space<hbm>>
          tpu.wait_dma2 semaphore(%arg21 : memref<!tpu.dma_semaphore, #tpu.memory_space<semaphore_mem>>) src(%arg14 : memref<10000xf32, #tpu.memory_space<vmem>>) dst(%dma_wait3A_82 : memref<10000xf32, #tpu.memory_space<hbm>>)
          %dma_wait3A_83 = tpu.memref_slice %arg8[%mul3A_61] : memref<3200000xf32, #tpu.memory_space<hbm>> -> memref<10000xf32, #tpu.memory_space<hbm>>
          %dma_wait3A_84 = tpu.memref_slice %arg8[%mul3A_61] : memref<3200000xf32, #tpu.memory_space<hbm>> -> memref<10000xf32, #tpu.memory_space<hbm>>
          tpu.wait_dma2 semaphore(%arg21 : memref<!tpu.dma_semaphore, #tpu.memory_space<semaphore_mem>>) src(%arg15 : memref<10000xf32, #tpu.memory_space<vmem>>) dst(%dma_wait3A_84 : memref<10000xf32, #tpu.memory_space<hbm>>)
        } else {
        }
        %dma_start3A = arith.constant 0 : i32
        %dma_start3A_72 = tpu.memref_slice %arg2[%dma_start3A] : memref<6400000xf32, #tpu.memory_space<hbm>> -> memref<6400000xf32, #tpu.memory_space<hbm>>
        %dma_start3A_73 = arith.constant -1 : i32
        tpu.enqueue_indirect_dma source(%dma_start3A_72 : memref<6400000xf32, #tpu.memory_space<hbm>>) target(%arg13 : memref<10000xf32, #tpu.memory_space<vmem>>) offsets(%arg11 : memref<10000xi32, #tpu.memory_space<vmem>>) offset_filter(%dma_start3A_73) semaphore(%arg19 : memref<!tpu.dma_semaphore, #tpu.memory_space<semaphore_mem>>)
        %dma_start3A_74 = arith.constant 0 : i32
        %dma_start3A_75 = tpu.memref_slice %arg3[%dma_start3A_74] : memref<6400000xf32, #tpu.memory_space<hbm>> -> memref<6400000xf32, #tpu.memory_space<hbm>>
        %dma_start3A_76 = arith.constant -1 : i32
        tpu.enqueue_indirect_dma source(%dma_start3A_75 : memref<6400000xf32, #tpu.memory_space<hbm>>) target(%arg14 : memref<10000xf32, #tpu.memory_space<vmem>>) offsets(%arg11 : memref<10000xi32, #tpu.memory_space<vmem>>) offset_filter(%dma_start3A_76) semaphore(%arg19 : memref<!tpu.dma_semaphore, #tpu.memory_space<semaphore_mem>>)
        %dma_start3A_77 = arith.constant 0 : i32
        %dma_start3A_78 = tpu.memref_slice %arg4[%dma_start3A_77] : memref<6400000xf32, #tpu.memory_space<hbm>> -> memref<6400000xf32, #tpu.memory_space<hbm>>
        %dma_start3A_79 = arith.constant -1 : i32
        tpu.enqueue_indirect_dma source(%dma_start3A_78 : memref<6400000xf32, #tpu.memory_space<hbm>>) target(%arg15 : memref<10000xf32, #tpu.memory_space<vmem>>) offsets(%arg11 : memref<10000xi32, #tpu.memory_space<vmem>>) offset_filter(%dma_start3A_79) semaphore(%arg19 : memref<!tpu.dma_semaphore, #tpu.memory_space<semaphore_mem>>)
      } else {
      }
      %mul3A_52 = arith.constant 32 : i32
      %mul3A_53 = arith.muli %mul3A_52, %add3A_41 : i32
      %add3A_54 = arith.addi %add3A, %mul3A_53 : i32
      %lt3A_55 = arith.constant 320 : i32
      %lt3A_56 = arith.cmpi slt, %add3A_54, %lt3A_55 : i32
      %convert_element_type3A_57 = arith.extui %lt3A_56 : i1 to i32
      %cond3A_58 = arith.constant 0 : i32
      %cond3A_59 = arith.cmpi ne, %convert_element_type3A_57, %cond3A_58 : i32
      scf.if %cond3A_59 {
        %mul3A_60 = arith.constant 10000 : i32
        %mul3A_61 = arith.muli %add3A_54, %mul3A_60 : i32
        %dma_wait3A = arith.constant 0 : i32
        %dma_wait3A_62 = tpu.memref_slice %arg2[%dma_wait3A] : memref<6400000xf32, #tpu.memory_space<hbm>> -> memref<6400000xf32, #tpu.memory_space<hbm>>
        tpu.wait_indirect_dma semaphore(%arg20 : memref<!tpu.dma_semaphore, #tpu.memory_space<semaphore_mem>>) src(%dma_wait3A_62 : memref<6400000xf32, #tpu.memory_space<hbm>>) dst(%arg16 : memref<10000xf32, #tpu.memory_space<vmem>>)
        %dma_wait3A_63 = arith.constant 0 : i32
        %dma_wait3A_64 = tpu.memref_slice %arg3[%dma_wait3A_63] : memref<6400000xf32, #tpu.memory_space<hbm>> -> memref<6400000xf32, #tpu.memory_space<hbm>>
        tpu.wait_indirect_dma semaphore(%arg20 : memref<!tpu.dma_semaphore, #tpu.memory_space<semaphore_mem>>) src(%dma_wait3A_64 : memref<6400000xf32, #tpu.memory_space<hbm>>) dst(%arg17 : memref<10000xf32, #tpu.memory_space<vmem>>)
        %dma_wait3A_65 = arith.constant 0 : i32
        %dma_wait3A_66 = tpu.memref_slice %arg4[%dma_wait3A_65] : memref<6400000xf32, #tpu.memory_space<hbm>> -> memref<6400000xf32, #tpu.memory_space<hbm>>
        tpu.wait_indirect_dma semaphore(%arg20 : memref<!tpu.dma_semaphore, #tpu.memory_space<semaphore_mem>>) src(%dma_wait3A_66 : memref<6400000xf32, #tpu.memory_space<hbm>>) dst(%arg18 : memref<10000xf32, #tpu.memory_space<vmem>>)
        %add3A_67 = arith.constant 64 : i32
        %add3A_68 = arith.addi %add3A_54, %add3A_67 : i32
        %lt3A_69 = arith.constant 320 : i32
        %lt3A_70 = arith.cmpi slt, %add3A_68, %lt3A_69 : i32
        %convert_element_type3A_71 = arith.extui %lt3A_70 : i1 to i32
        %cond3A_72 = arith.constant 0 : i32
        %cond3A_73 = arith.cmpi ne, %convert_element_type3A_71, %cond3A_72 : i32
        scf.if %cond3A_73 {
          %dma_start3A = tpu.memref_slice %arg6[%mul3A_61] : memref<3200000xf32, #tpu.memory_space<hbm>> -> memref<10000xf32, #tpu.memory_space<hbm>>
          %dma_start3A_80 = tpu.memref_slice %arg6[%mul3A_61] : memref<3200000xf32, #tpu.memory_space<hbm>> -> memref<10000xf32, #tpu.memory_space<hbm>>
          tpu.enqueue_dma source(%arg16 : memref<10000xf32, #tpu.memory_space<vmem>>) target(%dma_start3A_80 : memref<10000xf32, #tpu.memory_space<hbm>>) target_semaphore(%arg22 : memref<!tpu.dma_semaphore, #tpu.memory_space<semaphore_mem>>)
          %dma_start3A_81 = tpu.memref_slice %arg7[%mul3A_61] : memref<3200000xf32, #tpu.memory_space<hbm>> -> memref<10000xf32, #tpu.memory_space<hbm>>
          %dma_start3A_82 = tpu.memref_slice %arg7[%mul3A_61] : memref<3200000xf32, #tpu.memory_space<hbm>> -> memref<10000xf32, #tpu.memory_space<hbm>>
          tpu.enqueue_dma source(%arg17 : memref<10000xf32, #tpu.memory_space<vmem>>) target(%dma_start3A_82 : memref<10000xf32, #tpu.memory_space<hbm>>) target_semaphore(%arg22 : memref<!tpu.dma_semaphore, #tpu.memory_space<semaphore_mem>>)
          %dma_start3A_83 = tpu.memref_slice %arg8[%mul3A_61] : memref<3200000xf32, #tpu.memory_space<hbm>> -> memref<10000xf32, #tpu.memory_space<hbm>>
          %dma_start3A_84 = tpu.memref_slice %arg8[%mul3A_61] : memref<3200000xf32, #tpu.memory_space<hbm>> -> memref<10000xf32, #tpu.memory_space<hbm>>
          tpu.enqueue_dma source(%arg18 : memref<10000xf32, #tpu.memory_space<vmem>>) target(%dma_start3A_84 : memref<10000xf32, #tpu.memory_space<hbm>>) target_semaphore(%arg22 : memref<!tpu.dma_semaphore, #tpu.memory_space<semaphore_mem>>)
        } else {
        }
        %add3A_74 = arith.constant 64 : i32
        %add3A_75 = arith.addi %add3A_54, %add3A_74 : i32
        %ge3A = arith.constant 320 : i32
        %ge3A_76 = arith.cmpi sge, %add3A_75, %ge3A : i32
        %convert_element_type3A_77 = arith.extui %ge3A_76 : i1 to i32
        %cond3A_78 = arith.constant 0 : i32
        %cond3A_79 = arith.cmpi ne, %convert_element_type3A_77, %cond3A_78 : i32
        scf.if %cond3A_79 {
          "tpu.region"() ({
            %run_scoped3A = tpu.sem_alloc : memref<!tpu.dma_semaphore, #tpu.memory_space<semaphore_mem>>
            %dma_start3A = tpu.memref_slice %arg6[%mul3A_61] : memref<3200000xf32, #tpu.memory_space<hbm>> -> memref<10000xf32, #tpu.memory_space<hbm>>
            %dma_start3A_80 = tpu.memref_slice %arg6[%mul3A_61] : memref<3200000xf32, #tpu.memory_space<hbm>> -> memref<10000xf32, #tpu.memory_space<hbm>>
            tpu.enqueue_dma source(%arg16 : memref<10000xf32, #tpu.memory_space<vmem>>) target(%dma_start3A_80 : memref<10000xf32, #tpu.memory_space<hbm>>) target_semaphore(%run_scoped3A : memref<!tpu.dma_semaphore, #tpu.memory_space<semaphore_mem>>)
            %dma_wait3A_81 = tpu.memref_slice %arg6[%mul3A_61] : memref<3200000xf32, #tpu.memory_space<hbm>> -> memref<10000xf32, #tpu.memory_space<hbm>>
            %dma_wait3A_82 = tpu.memref_slice %arg6[%mul3A_61] : memref<3200000xf32, #tpu.memory_space<hbm>> -> memref<10000xf32, #tpu.memory_space<hbm>>
            tpu.wait_dma2 semaphore(%run_scoped3A : memref<!tpu.dma_semaphore, #tpu.memory_space<semaphore_mem>>) src(%arg16 : memref<10000xf32, #tpu.memory_space<vmem>>) dst(%dma_wait3A_82 : memref<10000xf32, #tpu.memory_space<hbm>>)
            tpu.yield
          }) : () -> ()
          "tpu.region"() ({
            %run_scoped3A = tpu.sem_alloc : memref<!tpu.dma_semaphore, #tpu.memory_space<semaphore_mem>>
            %dma_start3A = tpu.memref_slice %arg7[%mul3A_61] : memref<3200000xf32, #tpu.memory_space<hbm>> -> memref<10000xf32, #tpu.memory_space<hbm>>
            %dma_start3A_80 = tpu.memref_slice %arg7[%mul3A_61] : memref<3200000xf32, #tpu.memory_space<hbm>> -> memref<10000xf32, #tpu.memory_space<hbm>>
            tpu.enqueue_dma source(%arg17 : memref<10000xf32, #tpu.memory_space<vmem>>) target(%dma_start3A_80 : memref<10000xf32, #tpu.memory_space<hbm>>) target_semaphore(%run_scoped3A : memref<!tpu.dma_semaphore, #tpu.memory_space<semaphore_mem>>)
            %dma_wait3A_81 = tpu.memref_slice %arg7[%mul3A_61] : memref<3200000xf32, #tpu.memory_space<hbm>> -> memref<10000xf32, #tpu.memory_space<hbm>>
            %dma_wait3A_82 = tpu.memref_slice %arg7[%mul3A_61] : memref<3200000xf32, #tpu.memory_space<hbm>> -> memref<10000xf32, #tpu.memory_space<hbm>>
            tpu.wait_dma2 semaphore(%run_scoped3A : memref<!tpu.dma_semaphore, #tpu.memory_space<semaphore_mem>>) src(%arg17 : memref<10000xf32, #tpu.memory_space<vmem>>) dst(%dma_wait3A_82 : memref<10000xf32, #tpu.memory_space<hbm>>)
            tpu.yield
          }) : () -> ()
          "tpu.region"() ({
            %run_scoped3A = tpu.sem_alloc : memref<!tpu.dma_semaphore, #tpu.memory_space<semaphore_mem>>
            %dma_start3A = tpu.memref_slice %arg8[%mul3A_61] : memref<3200000xf32, #tpu.memory_space<hbm>> -> memref<10000xf32, #tpu.memory_space<hbm>>
            %dma_start3A_80 = tpu.memref_slice %arg8[%mul3A_61] : memref<3200000xf32, #tpu.memory_space<hbm>> -> memref<10000xf32, #tpu.memory_space<hbm>>
            tpu.enqueue_dma source(%arg18 : memref<10000xf32, #tpu.memory_space<vmem>>) target(%dma_start3A_80 : memref<10000xf32, #tpu.memory_space<hbm>>) target_semaphore(%run_scoped3A : memref<!tpu.dma_semaphore, #tpu.memory_space<semaphore_mem>>)
            %dma_wait3A_81 = tpu.memref_slice %arg8[%mul3A_61] : memref<3200000xf32, #tpu.memory_space<hbm>> -> memref<10000xf32, #tpu.memory_space<hbm>>
            %dma_wait3A_82 = tpu.memref_slice %arg8[%mul3A_61] : memref<3200000xf32, #tpu.memory_space<hbm>> -> memref<10000xf32, #tpu.memory_space<hbm>>
            tpu.wait_dma2 semaphore(%run_scoped3A : memref<!tpu.dma_semaphore, #tpu.memory_space<semaphore_mem>>) src(%arg18 : memref<10000xf32, #tpu.memory_space<vmem>>) dst(%dma_wait3A_82 : memref<10000xf32, #tpu.memory_space<hbm>>)
            tpu.yield
          }) : () -> ()
        } else {
        }
      } else {
      }
    }
    %scan3A_14 = arith.constant 5 : i32
    return
  }
}

#map = affine_map<(d0, d1) -> (0)>
module attributes {stable_mosaic.version = 14 : i64} {
  func.func @body(%arg0: i32, %arg1: i32, %arg2: memref<6400000xf32, #tpu.memory_space<hbm>>, %arg3: memref<3200000xi32, #tpu.memory_space<hbm>>, %arg4: memref<3200000xf32, #tpu.memory_space<hbm>>, %arg5: memref<10000xi32, #tpu.memory_space<vmem>>, %arg6: memref<10000xi32, #tpu.memory_space<vmem>>, %arg7: memref<10000xi32, #tpu.memory_space<vmem>>, %arg8: memref<10000xi32, #tpu.memory_space<vmem>>, %arg9: memref<10000xf32, #tpu.memory_space<vmem>>, %arg10: memref<10000xf32, #tpu.memory_space<vmem>>, %arg11: memref<!tpu.dma_semaphore, #tpu.memory_space<semaphore_mem>>, %arg12: memref<!tpu.dma_semaphore, #tpu.memory_space<semaphore_mem>>, %arg13: memref<!tpu.dma_semaphore, #tpu.memory_space<semaphore_mem>>, %arg14: memref<!tpu.dma_semaphore, #tpu.memory_space<semaphore_mem>>) attributes {dimension_semantics = [#tpu.dimension_semantics<core_parallel>, #tpu.dimension_semantics<subcore_parallel>], iteration_bounds = array<i64: 2, 16>, scalar_prefetch = 0 : i64, scratch_operands = 10 : i64, tpu.core_type = #tpu.core_type<sc_vector_subcore>, window_params = [{transform_indices = #map}, {transform_indices = #map}, {transform_indices = #map}]} {
    %mul3A = arith.constant 2 : i32
    %mul3A_0 = arith.muli %arg1, %mul3A : i32
    %add3A = arith.addi %mul3A_0, %arg0 : i32
    %broadcast_in_dim3A = arith.constant 6400000 : i32
    %broadcast_in_dim3A_1 = vector.broadcast %broadcast_in_dim3A : i32 to vector<16xi32>
    %broadcast_in_dim3A_2 = arith.constant -1 : i32
    %broadcast_in_dim3A_3 = vector.broadcast %broadcast_in_dim3A_2 : i32 to vector<16xi32>
    %mul3A_4 = arith.constant 32 : i32
    %mul3A_5 = arith.constant 0 : i32
    %mul3A_6 = arith.muli %mul3A_4, %mul3A_5 : i32
    %add3A_7 = arith.addi %add3A, %mul3A_6 : i32
    %lt3A = arith.constant 320 : i32
    %lt3A_8 = arith.cmpi slt, %add3A_7, %lt3A : i32
    %convert_element_type3A = arith.extui %lt3A_8 : i1 to i32
    %cond3A = arith.constant 0 : i32
    %cond3A_9 = arith.cmpi ne, %convert_element_type3A, %cond3A : i32
    scf.if %cond3A_9 {
      %mul3A_15 = arith.constant 10000 : i32
      %mul3A_16 = arith.muli %add3A_7, %mul3A_15 : i32
      "tpu.region"() ({
        %run_scoped3A = tpu.sem_alloc : memref<!tpu.dma_semaphore, #tpu.memory_space<semaphore_mem>>
        %dma_start3A_25 = tpu.memref_slice %arg3[%mul3A_16] : memref<3200000xi32, #tpu.memory_space<hbm>> -> memref<10000xi32, #tpu.memory_space<hbm>>
        %dma_start3A_26 = tpu.memref_slice %arg3[%mul3A_16] : memref<3200000xi32, #tpu.memory_space<hbm>> -> memref<10000xi32, #tpu.memory_space<hbm>>
        tpu.enqueue_dma source(%dma_start3A_26 : memref<10000xi32, #tpu.memory_space<hbm>>) target(%arg5 : memref<10000xi32, #tpu.memory_space<vmem>>) target_semaphore(%run_scoped3A : memref<!tpu.dma_semaphore, #tpu.memory_space<semaphore_mem>>)
        %dma_wait3A = tpu.memref_slice %arg3[%mul3A_16] : memref<3200000xi32, #tpu.memory_space<hbm>> -> memref<10000xi32, #tpu.memory_space<hbm>>
        %dma_wait3A_27 = tpu.memref_slice %arg3[%mul3A_16] : memref<3200000xi32, #tpu.memory_space<hbm>> -> memref<10000xi32, #tpu.memory_space<hbm>>
        tpu.wait_dma2 semaphore(%run_scoped3A : memref<!tpu.dma_semaphore, #tpu.memory_space<semaphore_mem>>) src(%dma_wait3A_27 : memref<10000xi32, #tpu.memory_space<hbm>>) dst(%arg5 : memref<10000xi32, #tpu.memory_space<vmem>>)
        tpu.yield
      }) : () -> ()
      %scan3A_17 = arith.constant 0 : i32
      %scan3A_18 = arith.constant 0 : i32
      %scan3A_19 = arith.constant 625 : i32
      %scan3A_20 = arith.addi %scan3A_18, %scan3A_19 : i32
      %scan3A_21 = arith.constant 1 : i32
      scf.for %scan3A_25 = %scan3A_18 to %scan3A_20 step %scan3A_21  : i32 {
        %mul3A_26 = arith.constant 16 : i32
        %mul3A_27 = arith.muli %scan3A_25, %mul3A_26 : i32
        %get3A = arith.index_cast %mul3A_27 : i32 to index
        %get3A_28 = tpu.vector_load %arg5[%get3A] {strides = array<i32>} : memref<10000xi32, #tpu.memory_space<vmem>>, vector<16xi32>,
        %lt3A_29 = arith.cmpi slt, %get3A_28, %broadcast_in_dim3A_1 : vector<16xi32>
        %select_n3A = arith.select %lt3A_29, %get3A_28, %broadcast_in_dim3A_3 : vector<16xi1>, vector<16xi32>
        %swap3A = arith.index_cast %mul3A_27 : i32 to index
        %swap3A_30 = tpu.vector_load %arg7[%swap3A] {strides = array<i32>} : memref<10000xi32, #tpu.memory_space<vmem>>, vector<16xi32>,
        tpu.vector_store %arg7[%swap3A], %select_n3A {strides = array<i32>} : memref<10000xi32, #tpu.memory_space<vmem>>, vector<16xi32>,
      }
      %scan3A_22 = arith.constant 625 : i32
      %dma_start3A = arith.constant 0 : i32
      %dma_start3A_23 = tpu.memref_slice %arg2[%dma_start3A] : memref<6400000xf32, #tpu.memory_space<hbm>> -> memref<6400000xf32, #tpu.memory_space<hbm>>
      %dma_start3A_24 = arith.constant -1 : i32
      tpu.enqueue_indirect_dma source(%dma_start3A_23 : memref<6400000xf32, #tpu.memory_space<hbm>>) target(%arg9 : memref<10000xf32, #tpu.memory_space<vmem>>) offsets(%arg7 : memref<10000xi32, #tpu.memory_space<vmem>>) offset_filter(%dma_start3A_24) semaphore(%arg11 : memref<!tpu.dma_semaphore, #tpu.memory_space<semaphore_mem>>)
    } else {
    }
    %scan3A = arith.constant 0 : i32
    %scan3A_10 = arith.constant 0 : i32
    %scan3A_11 = arith.constant 5 : i32
    %scan3A_12 = arith.addi %scan3A_10, %scan3A_11 : i32
    %scan3A_13 = arith.constant 1 : i32
    scf.for %scan3A_15 = %scan3A_10 to %scan3A_12 step %scan3A_13  : i32 {
      %mul3A_16 = arith.constant 2 : i32
      %mul3A_17 = arith.muli %mul3A_16, %scan3A_15 : i32
      %add3A_18 = arith.constant 0 : i32
      %add3A_19 = arith.addi %mul3A_17, %add3A_18 : i32
      %add3A_20 = arith.constant 1 : i32
      %add3A_21 = arith.addi %add3A_19, %add3A_20 : i32
      %mul3A_22 = arith.constant 32 : i32
      %mul3A_23 = arith.muli %mul3A_22, %add3A_21 : i32
      %add3A_24 = arith.addi %add3A, %mul3A_23 : i32
      %lt3A_25 = arith.constant 320 : i32
      %lt3A_26 = arith.cmpi slt, %add3A_24, %lt3A_25 : i32
      %convert_element_type3A_27 = arith.extui %lt3A_26 : i1 to i32
      %cond3A_28 = arith.constant 0 : i32
      %cond3A_29 = arith.cmpi ne, %convert_element_type3A_27, %cond3A_28 : i32
      scf.if %cond3A_29 {
        %mul3A_60 = arith.constant 10000 : i32
        %mul3A_61 = arith.muli %add3A_24, %mul3A_60 : i32
        "tpu.region"() ({
          %run_scoped3A = tpu.sem_alloc : memref<!tpu.dma_semaphore, #tpu.memory_space<semaphore_mem>>
          %dma_start3A_74 = tpu.memref_slice %arg3[%mul3A_61] : memref<3200000xi32, #tpu.memory_space<hbm>> -> memref<10000xi32, #tpu.memory_space<hbm>>
          %dma_start3A_75 = tpu.memref_slice %arg3[%mul3A_61] : memref<3200000xi32, #tpu.memory_space<hbm>> -> memref<10000xi32, #tpu.memory_space<hbm>>
          tpu.enqueue_dma source(%dma_start3A_75 : memref<10000xi32, #tpu.memory_space<hbm>>) target(%arg6 : memref<10000xi32, #tpu.memory_space<vmem>>) target_semaphore(%run_scoped3A : memref<!tpu.dma_semaphore, #tpu.memory_space<semaphore_mem>>)
          %dma_wait3A = tpu.memref_slice %arg3[%mul3A_61] : memref<3200000xi32, #tpu.memory_space<hbm>> -> memref<10000xi32, #tpu.memory_space<hbm>>
          %dma_wait3A_76 = tpu.memref_slice %arg3[%mul3A_61] : memref<3200000xi32, #tpu.memory_space<hbm>> -> memref<10000xi32, #tpu.memory_space<hbm>>
          tpu.wait_dma2 semaphore(%run_scoped3A : memref<!tpu.dma_semaphore, #tpu.memory_space<semaphore_mem>>) src(%dma_wait3A_76 : memref<10000xi32, #tpu.memory_space<hbm>>) dst(%arg6 : memref<10000xi32, #tpu.memory_space<vmem>>)
          tpu.yield
        }) : () -> ()
        %scan3A_62 = arith.constant 0 : i32
        %scan3A_63 = arith.constant 0 : i32
        %scan3A_64 = arith.constant 625 : i32
        %scan3A_65 = arith.addi %scan3A_63, %scan3A_64 : i32
        %scan3A_66 = arith.constant 1 : i32
        scf.for %scan3A_74 = %scan3A_63 to %scan3A_65 step %scan3A_66  : i32 {
          %mul3A_75 = arith.constant 16 : i32
          %mul3A_76 = arith.muli %scan3A_74, %mul3A_75 : i32
          %get3A = arith.index_cast %mul3A_76 : i32 to index
          %get3A_77 = tpu.vector_load %arg6[%get3A] {strides = array<i32>} : memref<10000xi32, #tpu.memory_space<vmem>>, vector<16xi32>,
          %lt3A_78 = arith.cmpi slt, %get3A_77, %broadcast_in_dim3A_1 : vector<16xi32>
          %select_n3A = arith.select %lt3A_78, %get3A_77, %broadcast_in_dim3A_3 : vector<16xi1>, vector<16xi32>
          %swap3A = arith.index_cast %mul3A_76 : i32 to index
          %swap3A_79 = tpu.vector_load %arg8[%swap3A] {strides = array<i32>} : memref<10000xi32, #tpu.memory_space<vmem>>, vector<16xi32>,
          tpu.vector_store %arg8[%swap3A], %select_n3A {strides = array<i32>} : memref<10000xi32, #tpu.memory_space<vmem>>, vector<16xi32>,
        }
        %scan3A_67 = arith.constant 625 : i32
        %ge3A = arith.constant 2 : i32
        %ge3A_68 = arith.cmpi sge, %add3A_21, %ge3A : i32
        %convert_element_type3A_69 = arith.extui %ge3A_68 : i1 to i32
        %cond3A_70 = arith.constant 0 : i32
        %cond3A_71 = arith.cmpi ne, %convert_element_type3A_69, %cond3A_70 : i32
        scf.if %cond3A_71 {
          %dma_wait3A = tpu.memref_slice %arg4[%mul3A_61] : memref<3200000xf32, #tpu.memory_space<hbm>> -> memref<10000xf32, #tpu.memory_space<hbm>>
          %dma_wait3A_74 = tpu.memref_slice %arg4[%mul3A_61] : memref<3200000xf32, #tpu.memory_space<hbm>> -> memref<10000xf32, #tpu.memory_space<hbm>>
          tpu.wait_dma2 semaphore(%arg14 : memref<!tpu.dma_semaphore, #tpu.memory_space<semaphore_mem>>) src(%arg10 : memref<10000xf32, #tpu.memory_space<vmem>>) dst(%dma_wait3A_74 : memref<10000xf32, #tpu.memory_space<hbm>>)
        } else {
        }
        %dma_start3A = arith.constant 0 : i32
        %dma_start3A_72 = tpu.memref_slice %arg2[%dma_start3A] : memref<6400000xf32, #tpu.memory_space<hbm>> -> memref<6400000xf32, #tpu.memory_space<hbm>>
        %dma_start3A_73 = arith.constant -1 : i32
        tpu.enqueue_indirect_dma source(%dma_start3A_72 : memref<6400000xf32, #tpu.memory_space<hbm>>) target(%arg10 : memref<10000xf32, #tpu.memory_space<vmem>>) offsets(%arg8 : memref<10000xi32, #tpu.memory_space<vmem>>) offset_filter(%dma_start3A_73) semaphore(%arg12 : memref<!tpu.dma_semaphore, #tpu.memory_space<semaphore_mem>>)
      } else {
      }
      %mul3A_30 = arith.constant 32 : i32
      %mul3A_31 = arith.muli %mul3A_30, %add3A_19 : i32
      %add3A_32 = arith.addi %add3A, %mul3A_31 : i32
      %lt3A_33 = arith.constant 320 : i32
      %lt3A_34 = arith.cmpi slt, %add3A_32, %lt3A_33 : i32
      %convert_element_type3A_35 = arith.extui %lt3A_34 : i1 to i32
      %cond3A_36 = arith.constant 0 : i32
      %cond3A_37 = arith.cmpi ne, %convert_element_type3A_35, %cond3A_36 : i32
      scf.if %cond3A_37 {
        %mul3A_60 = arith.constant 10000 : i32
        %mul3A_61 = arith.muli %add3A_32, %mul3A_60 : i32
        %dma_wait3A = arith.constant 0 : i32
        %dma_wait3A_62 = tpu.memref_slice %arg2[%dma_wait3A] : memref<6400000xf32, #tpu.memory_space<hbm>> -> memref<6400000xf32, #tpu.memory_space<hbm>>
        tpu.wait_indirect_dma semaphore(%arg11 : memref<!tpu.dma_semaphore, #tpu.memory_space<semaphore_mem>>) src(%dma_wait3A_62 : memref<6400000xf32, #tpu.memory_space<hbm>>) dst(%arg9 : memref<10000xf32, #tpu.memory_space<vmem>>)
        %add3A_63 = arith.constant 64 : i32
        %add3A_64 = arith.addi %add3A_32, %add3A_63 : i32
        %lt3A_65 = arith.constant 320 : i32
        %lt3A_66 = arith.cmpi slt, %add3A_64, %lt3A_65 : i32
        %convert_element_type3A_67 = arith.extui %lt3A_66 : i1 to i32
        %cond3A_68 = arith.constant 0 : i32
        %cond3A_69 = arith.cmpi ne, %convert_element_type3A_67, %cond3A_68 : i32
        scf.if %cond3A_69 {
          %dma_start3A = tpu.memref_slice %arg4[%mul3A_61] : memref<3200000xf32, #tpu.memory_space<hbm>> -> memref<10000xf32, #tpu.memory_space<hbm>>
          %dma_start3A_76 = tpu.memref_slice %arg4[%mul3A_61] : memref<3200000xf32, #tpu.memory_space<hbm>> -> memref<10000xf32, #tpu.memory_space<hbm>>
          tpu.enqueue_dma source(%arg9 : memref<10000xf32, #tpu.memory_space<vmem>>) target(%dma_start3A_76 : memref<10000xf32, #tpu.memory_space<hbm>>) target_semaphore(%arg13 : memref<!tpu.dma_semaphore, #tpu.memory_space<semaphore_mem>>)
        } else {
        }
        %add3A_70 = arith.constant 64 : i32
        %add3A_71 = arith.addi %add3A_32, %add3A_70 : i32
        %ge3A = arith.constant 320 : i32
        %ge3A_72 = arith.cmpi sge, %add3A_71, %ge3A : i32
        %convert_element_type3A_73 = arith.extui %ge3A_72 : i1 to i32
        %cond3A_74 = arith.constant 0 : i32
        %cond3A_75 = arith.cmpi ne, %convert_element_type3A_73, %cond3A_74 : i32
        scf.if %cond3A_75 {
          "tpu.region"() ({
            %run_scoped3A = tpu.sem_alloc : memref<!tpu.dma_semaphore, #tpu.memory_space<semaphore_mem>>
            %dma_start3A = tpu.memref_slice %arg4[%mul3A_61] : memref<3200000xf32, #tpu.memory_space<hbm>> -> memref<10000xf32, #tpu.memory_space<hbm>>
            %dma_start3A_76 = tpu.memref_slice %arg4[%mul3A_61] : memref<3200000xf32, #tpu.memory_space<hbm>> -> memref<10000xf32, #tpu.memory_space<hbm>>
            tpu.enqueue_dma source(%arg9 : memref<10000xf32, #tpu.memory_space<vmem>>) target(%dma_start3A_76 : memref<10000xf32, #tpu.memory_space<hbm>>) target_semaphore(%run_scoped3A : memref<!tpu.dma_semaphore, #tpu.memory_space<semaphore_mem>>)
            %dma_wait3A_77 = tpu.memref_slice %arg4[%mul3A_61] : memref<3200000xf32, #tpu.memory_space<hbm>> -> memref<10000xf32, #tpu.memory_space<hbm>>
            %dma_wait3A_78 = tpu.memref_slice %arg4[%mul3A_61] : memref<3200000xf32, #tpu.memory_space<hbm>> -> memref<10000xf32, #tpu.memory_space<hbm>>
            tpu.wait_dma2 semaphore(%run_scoped3A : memref<!tpu.dma_semaphore, #tpu.memory_space<semaphore_mem>>) src(%arg9 : memref<10000xf32, #tpu.memory_space<vmem>>) dst(%dma_wait3A_78 : memref<10000xf32, #tpu.memory_space<hbm>>)
            tpu.yield
          }) : () -> ()
        } else {
        }
      } else {
      }
      %mul3A_38 = arith.constant 2 : i32
      %mul3A_39 = arith.muli %mul3A_38, %scan3A_15 : i32
      %add3A_40 = arith.constant 1 : i32
      %add3A_41 = arith.addi %mul3A_39, %add3A_40 : i32
      %add3A_42 = arith.constant 1 : i32
      %add3A_43 = arith.addi %add3A_41, %add3A_42 : i32
      %mul3A_44 = arith.constant 32 : i32
      %mul3A_45 = arith.muli %mul3A_44, %add3A_43 : i32
      %add3A_46 = arith.addi %add3A, %mul3A_45 : i32
      %lt3A_47 = arith.constant 320 : i32
      %lt3A_48 = arith.cmpi slt, %add3A_46, %lt3A_47 : i32
      %convert_element_type3A_49 = arith.extui %lt3A_48 : i1 to i32
      %cond3A_50 = arith.constant 0 : i32
      %cond3A_51 = arith.cmpi ne, %convert_element_type3A_49, %cond3A_50 : i32
      scf.if %cond3A_51 {
        %mul3A_60 = arith.constant 10000 : i32
        %mul3A_61 = arith.muli %add3A_46, %mul3A_60 : i32
        "tpu.region"() ({
          %run_scoped3A = tpu.sem_alloc : memref<!tpu.dma_semaphore, #tpu.memory_space<semaphore_mem>>
          %dma_start3A_74 = tpu.memref_slice %arg3[%mul3A_61] : memref<3200000xi32, #tpu.memory_space<hbm>> -> memref<10000xi32, #tpu.memory_space<hbm>>
          %dma_start3A_75 = tpu.memref_slice %arg3[%mul3A_61] : memref<3200000xi32, #tpu.memory_space<hbm>> -> memref<10000xi32, #tpu.memory_space<hbm>>
          tpu.enqueue_dma source(%dma_start3A_75 : memref<10000xi32, #tpu.memory_space<hbm>>) target(%arg5 : memref<10000xi32, #tpu.memory_space<vmem>>) target_semaphore(%run_scoped3A : memref<!tpu.dma_semaphore, #tpu.memory_space<semaphore_mem>>)
          %dma_wait3A = tpu.memref_slice %arg3[%mul3A_61] : memref<3200000xi32, #tpu.memory_space<hbm>> -> memref<10000xi32, #tpu.memory_space<hbm>>
          %dma_wait3A_76 = tpu.memref_slice %arg3[%mul3A_61] : memref<3200000xi32, #tpu.memory_space<hbm>> -> memref<10000xi32, #tpu.memory_space<hbm>>
          tpu.wait_dma2 semaphore(%run_scoped3A : memref<!tpu.dma_semaphore, #tpu.memory_space<semaphore_mem>>) src(%dma_wait3A_76 : memref<10000xi32, #tpu.memory_space<hbm>>) dst(%arg5 : memref<10000xi32, #tpu.memory_space<vmem>>)
          tpu.yield
        }) : () -> ()
        %scan3A_62 = arith.constant 0 : i32
        %scan3A_63 = arith.constant 0 : i32
        %scan3A_64 = arith.constant 625 : i32
        %scan3A_65 = arith.addi %scan3A_63, %scan3A_64 : i32
        %scan3A_66 = arith.constant 1 : i32
        scf.for %scan3A_74 = %scan3A_63 to %scan3A_65 step %scan3A_66  : i32 {
          %mul3A_75 = arith.constant 16 : i32
          %mul3A_76 = arith.muli %scan3A_74, %mul3A_75 : i32
          %get3A = arith.index_cast %mul3A_76 : i32 to index
          %get3A_77 = tpu.vector_load %arg5[%get3A] {strides = array<i32>} : memref<10000xi32, #tpu.memory_space<vmem>>, vector<16xi32>,
          %lt3A_78 = arith.cmpi slt, %get3A_77, %broadcast_in_dim3A_1 : vector<16xi32>
          %select_n3A = arith.select %lt3A_78, %get3A_77, %broadcast_in_dim3A_3 : vector<16xi1>, vector<16xi32>
          %swap3A = arith.index_cast %mul3A_76 : i32 to index
          %swap3A_79 = tpu.vector_load %arg7[%swap3A] {strides = array<i32>} : memref<10000xi32, #tpu.memory_space<vmem>>, vector<16xi32>,
          tpu.vector_store %arg7[%swap3A], %select_n3A {strides = array<i32>} : memref<10000xi32, #tpu.memory_space<vmem>>, vector<16xi32>,
        }
        %scan3A_67 = arith.constant 625 : i32
        %ge3A = arith.constant 2 : i32
        %ge3A_68 = arith.cmpi sge, %add3A_43, %ge3A : i32
        %convert_element_type3A_69 = arith.extui %ge3A_68 : i1 to i32
        %cond3A_70 = arith.constant 0 : i32
        %cond3A_71 = arith.cmpi ne, %convert_element_type3A_69, %cond3A_70 : i32
        scf.if %cond3A_71 {
          %dma_wait3A = tpu.memref_slice %arg4[%mul3A_61] : memref<3200000xf32, #tpu.memory_space<hbm>> -> memref<10000xf32, #tpu.memory_space<hbm>>
          %dma_wait3A_74 = tpu.memref_slice %arg4[%mul3A_61] : memref<3200000xf32, #tpu.memory_space<hbm>> -> memref<10000xf32, #tpu.memory_space<hbm>>
          tpu.wait_dma2 semaphore(%arg13 : memref<!tpu.dma_semaphore, #tpu.memory_space<semaphore_mem>>) src(%arg9 : memref<10000xf32, #tpu.memory_space<vmem>>) dst(%dma_wait3A_74 : memref<10000xf32, #tpu.memory_space<hbm>>)
        } else {
        }
        %dma_start3A = arith.constant 0 : i32
        %dma_start3A_72 = tpu.memref_slice %arg2[%dma_start3A] : memref<6400000xf32, #tpu.memory_space<hbm>> -> memref<6400000xf32, #tpu.memory_space<hbm>>
        %dma_start3A_73 = arith.constant -1 : i32
        tpu.enqueue_indirect_dma source(%dma_start3A_72 : memref<6400000xf32, #tpu.memory_space<hbm>>) target(%arg9 : memref<10000xf32, #tpu.memory_space<vmem>>) offsets(%arg7 : memref<10000xi32, #tpu.memory_space<vmem>>) offset_filter(%dma_start3A_73) semaphore(%arg11 : memref<!tpu.dma_semaphore, #tpu.memory_space<semaphore_mem>>)
      } else {
      }
      %mul3A_52 = arith.constant 32 : i32
      %mul3A_53 = arith.muli %mul3A_52, %add3A_41 : i32
      %add3A_54 = arith.addi %add3A, %mul3A_53 : i32
      %lt3A_55 = arith.constant 320 : i32
      %lt3A_56 = arith.cmpi slt, %add3A_54, %lt3A_55 : i32
      %convert_element_type3A_57 = arith.extui %lt3A_56 : i1 to i32
      %cond3A_58 = arith.constant 0 : i32
      %cond3A_59 = arith.cmpi ne, %convert_element_type3A_57, %cond3A_58 : i32
      scf.if %cond3A_59 {
        %mul3A_60 = arith.constant 10000 : i32
        %mul3A_61 = arith.muli %add3A_54, %mul3A_60 : i32
        %dma_wait3A = arith.constant 0 : i32
        %dma_wait3A_62 = tpu.memref_slice %arg2[%dma_wait3A] : memref<6400000xf32, #tpu.memory_space<hbm>> -> memref<6400000xf32, #tpu.memory_space<hbm>>
        tpu.wait_indirect_dma semaphore(%arg12 : memref<!tpu.dma_semaphore, #tpu.memory_space<semaphore_mem>>) src(%dma_wait3A_62 : memref<6400000xf32, #tpu.memory_space<hbm>>) dst(%arg10 : memref<10000xf32, #tpu.memory_space<vmem>>)
        %add3A_63 = arith.constant 64 : i32
        %add3A_64 = arith.addi %add3A_54, %add3A_63 : i32
        %lt3A_65 = arith.constant 320 : i32
        %lt3A_66 = arith.cmpi slt, %add3A_64, %lt3A_65 : i32
        %convert_element_type3A_67 = arith.extui %lt3A_66 : i1 to i32
        %cond3A_68 = arith.constant 0 : i32
        %cond3A_69 = arith.cmpi ne, %convert_element_type3A_67, %cond3A_68 : i32
        scf.if %cond3A_69 {
          %dma_start3A = tpu.memref_slice %arg4[%mul3A_61] : memref<3200000xf32, #tpu.memory_space<hbm>> -> memref<10000xf32, #tpu.memory_space<hbm>>
          %dma_start3A_76 = tpu.memref_slice %arg4[%mul3A_61] : memref<3200000xf32, #tpu.memory_space<hbm>> -> memref<10000xf32, #tpu.memory_space<hbm>>
          tpu.enqueue_dma source(%arg10 : memref<10000xf32, #tpu.memory_space<vmem>>) target(%dma_start3A_76 : memref<10000xf32, #tpu.memory_space<hbm>>) target_semaphore(%arg14 : memref<!tpu.dma_semaphore, #tpu.memory_space<semaphore_mem>>)
        } else {
        }
        %add3A_70 = arith.constant 64 : i32
        %add3A_71 = arith.addi %add3A_54, %add3A_70 : i32
        %ge3A = arith.constant 320 : i32
        %ge3A_72 = arith.cmpi sge, %add3A_71, %ge3A : i32
        %convert_element_type3A_73 = arith.extui %ge3A_72 : i1 to i32
        %cond3A_74 = arith.constant 0 : i32
        %cond3A_75 = arith.cmpi ne, %convert_element_type3A_73, %cond3A_74 : i32
        scf.if %cond3A_75 {
          "tpu.region"() ({
            %run_scoped3A = tpu.sem_alloc : memref<!tpu.dma_semaphore, #tpu.memory_space<semaphore_mem>>
            %dma_start3A = tpu.memref_slice %arg4[%mul3A_61] : memref<3200000xf32, #tpu.memory_space<hbm>> -> memref<10000xf32, #tpu.memory_space<hbm>>
            %dma_start3A_76 = tpu.memref_slice %arg4[%mul3A_61] : memref<3200000xf32, #tpu.memory_space<hbm>> -> memref<10000xf32, #tpu.memory_space<hbm>>
            tpu.enqueue_dma source(%arg10 : memref<10000xf32, #tpu.memory_space<vmem>>) target(%dma_start3A_76 : memref<10000xf32, #tpu.memory_space<hbm>>) target_semaphore(%run_scoped3A : memref<!tpu.dma_semaphore, #tpu.memory_space<semaphore_mem>>)
            %dma_wait3A_77 = tpu.memref_slice %arg4[%mul3A_61] : memref<3200000xf32, #tpu.memory_space<hbm>> -> memref<10000xf32, #tpu.memory_space<hbm>>
            %dma_wait3A_78 = tpu.memref_slice %arg4[%mul3A_61] : memref<3200000xf32, #tpu.memory_space<hbm>> -> memref<10000xf32, #tpu.memory_space<hbm>>
            tpu.wait_dma2 semaphore(%run_scoped3A : memref<!tpu.dma_semaphore, #tpu.memory_space<semaphore_mem>>) src(%arg10 : memref<10000xf32, #tpu.memory_space<vmem>>) dst(%dma_wait3A_78 : memref<10000xf32, #tpu.memory_space<hbm>>)
            tpu.yield
          }) : () -> ()
        } else {
        }
      } else {
      }
    }
    %scan3A_14 = arith.constant 5 : i32
    return
  }
}

module attributes {stable_mosaic.version = 14 : i64} {
  func.func @split_body(%arg0: i32, %arg1: memref<3x128000xf32, #tpu.memory_space<vmem>>, %arg2: memref<128000xf32, #tpu.memory_space<vmem>>, %arg3: memref<128000xf32, #tpu.memory_space<vmem>>, %arg4: memref<128000xf32, #tpu.memory_space<vmem>>) attributes {dimension_semantics = [#tpu.dimension_semantics<arbitrary>], iteration_bounds = array<i64: 50>, scalar_prefetch = 0 : i64, scratch_operands = 0 : i64, tpu.core_type = #tpu.core_type<tc>, window_params = [{transform_indices = @transform_0, window_bounds = array<i64: 3, 128000>}, {transform_indices = @transform_1, window_bounds = array<i64: 128000>}, {transform_indices = @transform_2, window_bounds = array<i64: 128000>}, {transform_indices = @transform_3, window_bounds = array<i64: 128000>}]} {
    %get3A = arith.constant 0 : index
    %get3A_0 = arith.constant 0 : index
    %get3A_1 = vector.load %arg1[%get3A, %get3A_0] : memref<3x128000xf32, #tpu.memory_space<vmem>>, vector<3x128000xf32>
    %slice3A = vector.extract_strided_slice %get3A_1 {offsets = [0, 0], sizes = [1, 128000], strides = [1, 1]} : vector<3x128000xf32> to vector<1x128000xf32>
    %squeeze3A = vector.shape_cast %slice3A : vector<1x128000xf32> to vector<128000xf32>
    %swap3A = arith.constant 0 : index
    %swap3A_2 = vector.load %arg2[%swap3A] : memref<128000xf32, #tpu.memory_space<vmem>>, vector<128000xf32>
    tpu.vector_store %arg2[%swap3A], %squeeze3A {strides = array<i32>} : memref<128000xf32, #tpu.memory_space<vmem>>, vector<128000xf32>,
    %slice3A_3 = vector.extract_strided_slice %get3A_1 {offsets = [1, 0], sizes = [1, 128000], strides = [1, 1]} : vector<3x128000xf32> to vector<1x128000xf32>
    %squeeze3A_4 = vector.shape_cast %slice3A_3 : vector<1x128000xf32> to vector<128000xf32>
    %swap3A_5 = arith.constant 0 : index
    %swap3A_6 = vector.load %arg3[%swap3A_5] : memref<128000xf32, #tpu.memory_space<vmem>>, vector<128000xf32>
    tpu.vector_store %arg3[%swap3A_5], %squeeze3A_4 {strides = array<i32>} : memref<128000xf32, #tpu.memory_space<vmem>>, vector<128000xf32>,
    %slice3A_7 = vector.extract_strided_slice %get3A_1 {offsets = [2, 0], sizes = [1, 128000], strides = [1, 1]} : vector<3x128000xf32> to vector<1x128000xf32>
    %squeeze3A_8 = vector.shape_cast %slice3A_7 : vector<1x128000xf32> to vector<128000xf32>
    %swap3A_9 = arith.constant 0 : index
    %swap3A_10 = vector.load %arg4[%swap3A_9] : memref<128000xf32, #tpu.memory_space<vmem>>, vector<128000xf32>
    tpu.vector_store %arg4[%swap3A_9], %squeeze3A_8 {strides = array<i32>} : memref<128000xf32, #tpu.memory_space<vmem>>, vector<128000xf32>,
    return
  }
  func.func @transform_0(%arg0: i32) -> (i32, i32) {
    %c0_i32 = arith.constant 0 : i32
    %c0_i32_0 = arith.constant 0 : i32
    return %c0_i32, %arg0 : i32, i32
  }
  func.func @transform_1(%arg0: i32) -> i32 {
    %c0_i32 = arith.constant 0 : i32
    return %arg0 : i32
  }
  func.func @transform_2(%arg0: i32) -> i32 {
    %c0_i32 = arith.constant 0 : i32
    return %arg0 : i32
  }
  func.func @transform_3(%arg0: i32) -> i32 {
    %c0_i32 = arith.constant 0 : i32
    return %arg0 : i32
  }
}

module attributes {stable_mosaic.version = 14 : i64} {
  func.func @merge_body(%arg0: i32, %arg1: memref<128000xf32, #tpu.memory_space<vmem>>, %arg2: memref<128000xf32, #tpu.memory_space<vmem>>, %arg3: memref<128000xf32, #tpu.memory_space<vmem>>, %arg4: memref<128000xf32, #tpu.memory_space<vmem>>, %arg5: memref<128000xi32, #tpu.memory_space<vmem>>, %arg6: memref<3x128000xf32, #tpu.memory_space<vmem>>, %arg7: memref<128000xf32, #tpu.memory_space<vmem>>, %arg8: memref<128000xf32, #tpu.memory_space<vmem>>, %arg9: memref<128000xi32, #tpu.memory_space<vmem>>) attributes {dimension_semantics = [#tpu.dimension_semantics<arbitrary>], iteration_bounds = array<i64: 25>, scalar_prefetch = 0 : i64, scratch_operands = 0 : i64, tpu.core_type = #tpu.core_type<tc>, window_params = [{transform_indices = @transform_0, window_bounds = array<i64: 128000>}, {transform_indices = @transform_1, window_bounds = array<i64: 128000>}, {transform_indices = @transform_2, window_bounds = array<i64: 128000>}, {transform_indices = @transform_3, window_bounds = array<i64: 128000>}, {transform_indices = @transform_4, window_bounds = array<i64: 128000>}, {transform_indices = @transform_5, window_bounds = array<i64: 3, 128000>}, {transform_indices = @transform_6, window_bounds = array<i64: 128000>}, {transform_indices = @transform_7, window_bounds = array<i64: 128000>}, {transform_indices = @transform_8, window_bounds = array<i64: 128000>}]} {
    %get3A = arith.constant 0 : index
    %get3A_0 = vector.load %arg5[%get3A] : memref<128000xi32, #tpu.memory_space<vmem>>, vector<128000xi32>
    %ge3A = arith.constant 6400000 : i32
    %ge3A_1 = vector.broadcast %ge3A : i32 to vector<128000xi32>
    %ge3A_2 = arith.cmpi sge, %get3A_0, %ge3A_1 : vector<128000xi32>
    %get3A_3 = arith.constant 0 : index
    %get3A_4 = vector.load %arg1[%get3A_3] : memref<128000xf32, #tpu.memory_space<vmem>>, vector<128000xf32>
    %get3A_5 = arith.constant 0 : index
    %get3A_6 = vector.load %arg2[%get3A_5] : memref<128000xf32, #tpu.memory_space<vmem>>, vector<128000xf32>
    %get3A_7 = arith.constant 0 : index
    %get3A_8 = vector.load %arg3[%get3A_7] : memref<128000xf32, #tpu.memory_space<vmem>>, vector<128000xf32>
    %stack3A = vector.shape_cast %get3A_4 : vector<128000xf32> to vector<1x128000xf32>
    %stack3A_9 = vector.shape_cast %get3A_6 : vector<128000xf32> to vector<1x128000xf32>
    %stack3A_10 = vector.shape_cast %get3A_8 : vector<128000xf32> to vector<1x128000xf32>
    %stack3A_11 = tpu.concatenate %stack3A, %stack3A_9, %stack3A_10 in 0 : vector<1x128000xf32>, vector<1x128000xf32>, vector<1x128000xf32> -> vector<3x128000xf32>
    %broadcast_in_dim3A = vector.shape_cast %ge3A_2 : vector<128000xi1> to vector<1x128000xi1>
    %jit3A = arith.constant 5.000000e+00 : f32
    %broadcast_in_dim3A_12 = vector.shape_cast %broadcast_in_dim3A : vector<1x128000xi1> to vector<1x128000xi1>
    %broadcast_in_dim3A_13 = vector.broadcast %broadcast_in_dim3A_12 : vector<1x128000xi1> to vector<3x128000xi1>
    %broadcast_in_dim3A_14 = vector.broadcast %jit3A : f32 to vector<3x128000xf32>
    %select_n3A = arith.select %broadcast_in_dim3A_13, %broadcast_in_dim3A_14, %stack3A_11 : vector<3x128000xi1>, vector<3x128000xf32>
    %swap3A = arith.constant 0 : index
    %swap3A_15 = arith.constant 0 : index
    %swap3A_16 = vector.load %arg6[%swap3A, %swap3A_15] : memref<3x128000xf32, #tpu.memory_space<vmem>>, vector<3x128000xf32>
    tpu.vector_store %arg6[%swap3A, %swap3A_15], %select_n3A {strides = array<i32>} : memref<3x128000xf32, #tpu.memory_space<vmem>>, vector<3x128000xf32>,
    %get3A_17 = arith.constant 0 : index
    %get3A_18 = vector.load %arg4[%get3A_17] : memref<128000xf32, #tpu.memory_space<vmem>>, vector<128000xf32>
    %jit3A_19 = arith.constant 5.000000e+00 : f32
    %broadcast_in_dim3A_20 = vector.broadcast %jit3A_19 : f32 to vector<128000xf32>
    %select_n3A_21 = arith.select %ge3A_2, %broadcast_in_dim3A_20, %get3A_18 : vector<128000xi1>, vector<128000xf32>
    %swap3A_22 = arith.constant 0 : index
    %swap3A_23 = vector.load %arg7[%swap3A_22] : memref<128000xf32, #tpu.memory_space<vmem>>, vector<128000xf32>
    tpu.vector_store %arg7[%swap3A_22], %select_n3A_21 {strides = array<i32>} : memref<128000xf32, #tpu.memory_space<vmem>>, vector<128000xf32>,
    %lt3A = arith.constant 5.000000e+00 : f32
    %lt3A_24 = vector.broadcast %lt3A : f32 to vector<128000xf32>
    %lt3A_25 = arith.cmpf olt, %select_n3A_21, %lt3A_24 : vector<128000xf32>
    %mul3A = arith.constant 2.000000e-01 : f32
    %mul3A_26 = vector.broadcast %mul3A : f32 to vector<128000xf32>
    %mul3A_27 = arith.mulf %select_n3A_21, %mul3A_26 : vector<128000xf32>
    %mul3A_28 = arith.constant 3.14159274 : f32
    %mul3A_29 = vector.broadcast %mul3A_28 : f32 to vector<128000xf32>
    %mul3A_30 = arith.mulf %mul3A_29, %mul3A_27 : vector<128000xf32>
    %cos3A = math.cos %mul3A_30 : vector<128000xf32>
    %mul3A_31 = arith.constant 5.000000e-01 : f32
    %mul3A_32 = vector.broadcast %mul3A_31 : f32 to vector<128000xf32>
    %mul3A_33 = arith.mulf %mul3A_32, %cos3A : vector<128000xf32>
    %add3A = arith.constant 5.000000e-01 : f32
    %add3A_34 = vector.broadcast %add3A : f32 to vector<128000xf32>
    %add3A_35 = arith.addf %mul3A_33, %add3A_34 : vector<128000xf32>
    %jit3A_36 = arith.constant 0.000000e+00 : f32
    %broadcast_in_dim3A_37 = vector.broadcast %jit3A_36 : f32 to vector<128000xf32>
    %select_n3A_38 = arith.select %lt3A_25, %add3A_35, %broadcast_in_dim3A_37 : vector<128000xi1>, vector<128000xf32>
    %swap3A_39 = arith.constant 0 : index
    %swap3A_40 = vector.load %arg8[%swap3A_39] : memref<128000xf32, #tpu.memory_space<vmem>>, vector<128000xf32>
    tpu.vector_store %arg8[%swap3A_39], %select_n3A_38 {strides = array<i32>} : memref<128000xf32, #tpu.memory_space<vmem>>, vector<128000xf32>,
    %swap3A_41 = arith.constant 0 : index
    %swap3A_42 = vector.load %arg9[%swap3A_41] : memref<128000xi32, #tpu.memory_space<vmem>>, vector<128000xi32>
    %swap3A_43 = arith.extui %lt3A_25 : vector<128000xi1> to vector<128000xi32>
    %swap3A_44 = arith.constant dense<0> : vector<128000xi32>
    %swap3A_45 = arith.cmpi ne, %swap3A_42, %swap3A_44 : vector<128000xi32>
    tpu.vector_store %arg9[%swap3A_41], %swap3A_43 {strides = array<i32>} : memref<128000xi32, #tpu.memory_space<vmem>>, vector<128000xi32>,
    return
  }
  func.func @transform_0(%arg0: i32) -> i32 {
    %c0_i32 = arith.constant 0 : i32
    return %arg0 : i32
  }
  func.func @transform_1(%arg0: i32) -> i32 {
    %c0_i32 = arith.constant 0 : i32
    return %arg0 : i32
  }
  func.func @transform_2(%arg0: i32) -> i32 {
    %c0_i32 = arith.constant 0 : i32
    return %arg0 : i32
  }
  func.func @transform_3(%arg0: i32) -> i32 {
    %c0_i32 = arith.constant 0 : i32
    return %arg0 : i32
  }
  func.func @transform_4(%arg0: i32) -> i32 {
    %c0_i32 = arith.constant 0 : i32
    return %arg0 : i32
  }
  func.func @transform_5(%arg0: i32) -> (i32, i32) {
    %c0_i32 = arith.constant 0 : i32
    %c0_i32_0 = arith.constant 0 : i32
    return %c0_i32, %arg0 : i32, i32
  }
  func.func @transform_6(%arg0: i32) -> i32 {
    %c0_i32 = arith.constant 0 : i32
    return %arg0 : i32
  }
  func.func @transform_7(%arg0: i32) -> i32 {
    %c0_i32 = arith.constant 0 : i32
    return %arg0 : i32
  }
  func.func @transform_8(%arg0: i32) -> i32 {
    %c0_i32 = arith.constant 0 : i32
    return %arg0 : i32
  }
}

</mosaic_0001>

<sc_bundles>
// kernel: kernel.6.cloned.1.call-start
scs
__scs_entry_jumppad:
0x0: {  	(pc) =	sbr.rel $0x88, $3  }
0x1: {  	(tag) =	ssettag $0x0;
	lr =	simm.s32 $0x1  }
0x2: {  	[smem:$0x3F9E] =	sst lr;
	_ =	strace $0xD0000000  }
0x3: {  	_ = 	snop  }
0x4: {  	_ = 	snop  }
0x5: {  	_ = 	snop  }
0x6: {  	_ = 	snop  }
0x7: {  	_ = 	snop  }
__scs_overlays_trampoline_lowered:
0x8: {  	[smem:$0x3FAD] =	sst s0  }
0x9: {  	[smem:$0x3FAE] =	sst s1  }
0xa: {  	[smem:$0x3FAF] =	sst s2  }
0xb: {  	[smem:$0x3FB0] =	sst s3  }
0xc: {  	[smem:$0x3FB1] =	sst s4  }
0xd: {  	[smem:$0x3FB2] =	sst s5  }
0xe: {  	[smem:$0x3FB3] =	sst s6  }
0xf: {  	[smem:$0x3FB4] =	sst s7  }
0x10: {  	[smem:$0x3FB5] =	sst s8  }
0x11: {  	[smem:$0x3FB6] =	sst s9;
	s0 =	simm.s32 @!p0 $0x0  }
0x12: {  	s1 =	sld [smem:$0x3F9C];
	s0 =	simm.s32 @p0 $0x1  }
0x13: {  	[smem:$0x3FB7] =	sst s0;
	s0 =	simm.s32 @!p1 $0x0  }
0x14: {  	s2 =	sld [smem:$0x3F9B];
	s0 =	simm.s32 @p1 $0x1  }
0x15: {  	[smem:$0x3FB8] =	sst s0;
	s0 =	simm.s32 @!p2 $0x0  }
0x16: {  	s3 =	sld [smem:$0x3FDB];
	s0 =	simm.s32 @p2 $0x1  }
0x17: {  	s4 =	simm.s32 $0x1BF5;
	[smem:$0x3FBA] =	sst s0  }
0x18: {  	s0 =	sld [smem:$0x3F9D];
	_ =	swait.ge [sflag:s4], $0x0  }
0x19: {  	s7 =	sld [smem:$0x3F9E]  }
0x1a: {  	s8 =	sadd.s32 $0xFFFFE003, lr  }
0x1b: {  	s9 =	sadd.s32 $0xFFFFFEF7, lr;
	s5 =	simm.s32 $0xFFFFFFFF;
	p2 =	slt.u32 s8, $0xFFFFF086  }
0x1c: {  	p1 =	slt.u32 s9, $0xF7A;
	s5 =	simm.s32 @!p2 $0x0  }
0x1d: {  	s5 =	simm.s32 @p1 $0x1;
	p0 =	seq.s32 s7, s2  }
0x1e: {  	s7 =	smul.u32 @!p0 $0xF7A, s2;
	p2 =	seq.s32 @!p0 s5, $0x0  }
0x1f: {  	s9 =	smul.u32 $0xF7A, s1;
	s8 =	simm.s32 @!p0 $0x1BF5;
	p2 =	por !p2, p0  }
0x20: {  	[sflag:s8] =	ssyncset.s32 @!p0 $0xFFFFF086;
	s6 =	sadd.s32 @!p0 s3, s7;
	s7 =	simm.s32 @!p0 $0x108  }
0x21: {  	s3 =	sadd.s32 s3, s9;
	s6 =	sadd.s32 @!p0 $0x88, s6;
	s7 =	simm.s32 @p2 $0x1082  }
0x22: {  	[simem:s7], [sflag:s8] =	dma.local @!p0 [hbm:s6], $0xF7A  }
0x23: {  	s9 =	sor.u32 $0xD0000000, s2;
	s6 =	simm.s32 $0x108;
	_ =	swait.ge @!p0 [sflag:s8], $0x0  }
0x24: {  	s3 =	sadd.s32 $0x88, s3;
	s6 =	simm.s32 @!p1 $0x1082;
	[sflag:s4] =	ssyncset.s32 $0xFFFFF086  }
0x25: {  	[simem:s6], [sflag:s4] =	dma.local [hbm:s3], $0xF7A  }
0x26: {  	[smem:$0x3F9E] =	sst s1;
	(tag) =	ssettag s2;
	_ =	strace s9  }
0x27: {  	s1 =	sld [smem:$0x3FAE]  }
0x28: {  	s2 =	sld [smem:$0x3FAF]  }
0x29: {  	s4 =	sld [smem:$0x3FB1]  }
0x2a: {  	p0 =	seq.s32 s5, $0x0;
	s5 =	sld [smem:$0x3FB2]  }
0x2b: {  	s6 =	sld [smem:$0x3FB3]  }
0x2c: {  	s7 =	sld [smem:$0x3FB4]  }
0x2d: {  	s3 =	simm.s32 $0x108;
	s8 =	sld [smem:$0x3FB5]  }
0x2e: {  	s3 =	simm.s32 @!p0 $0x1082;
	s9 =	sld [smem:$0x3FB6]  }
0x2f: {  	lr =	sadd.s32 s0, s3;
	s0 =	sld [smem:$0x3FAD]  }
0x30: {  	s3 =	sld [smem:$0x3FB0]  }
0x31: {  	[smem:$0x3FB9] =	sst s10  }
0x32: {  	s10 =	sld [smem:$0x3FB7];
	_ =	sdelay $0x3  }
0x33: {  	p0 =	seq.s32 s10, $0x1;
	s10 =	sld [smem:$0x3FB9];
	_ =	sdelay $0x3  }
0x34: {  	[smem:$0x3FB9] =	sst s10  }
0x35: {  	s10 =	sld [smem:$0x3FB8];
	_ =	sdelay $0x3  }
0x36: {  	p1 =	seq.s32 s10, $0x1;
	s10 =	sld [smem:$0x3FB9];
	_ =	sdelay $0x3  }
0x37: {  	[smem:$0x3FB9] =	sst s10  }
0x38: {  	s10 =	sld [smem:$0x3FBA]  }
0x39: {  	_ = 	snop;
	(pc) =	sbr.ind lr, $3  }
0x3a: {  	_ = 	snop  }
0x3b: {  	_ = 	snop  }
0x3c: {  	p2 =	seq.s32 s10, $0x1;
	s10 =	sld [smem:$0x3FB9]  }
0x3d: {  	_ =	shalt  }
0x3e: {  	_ =	shalt  }
0x3f: {  	_ =	shalt  }
0x40: {  	_ =	shalt  }
0x41: {  	_ =	shalt  }
0x42: {  	_ =	shalt  }
0x43: {  	_ =	shalt  }
0x44: {  	_ =	shalt  }
0x45: {  	_ =	shalt  }
0x46: {  	_ =	shalt  }
0x47: {  	_ =	shalt  }
0x48: {  	_ =	shalt  }
0x49: {  	_ =	shalt  }
0x4a: {  	_ =	shalt  }
0x4b: {  	_ =	shalt  }
0x4c: {  	_ =	shalt  }
0x4d: {  	_ =	shalt  }
0x4e: {  	_ =	shalt  }
0x4f: {  	_ =	shalt  }
0x50: {  	_ =	shalt  }
0x51: {  	_ =	shalt  }
0x52: {  	_ =	shalt  }
0x53: {  	_ =	shalt  }
0x54: {  	_ =	shalt  }
0x55: {  	_ =	shalt  }
0x56: {  	_ =	shalt  }
0x57: {  	_ =	shalt  }
0x58: {  	_ =	shalt  }
0x59: {  	_ =	shalt  }
0x5a: {  	_ =	shalt  }
0x5b: {  	_ =	shalt  }
0x5c: {  	_ =	shalt  }
0x5d: {  	_ =	shalt  }
0x5e: {  	_ =	shalt  }
0x5f: {  	_ =	shalt  }
0x60: {  	_ =	shalt  }
0x61: {  	_ =	shalt  }
0x62: {  	_ =	shalt  }
0x63: {  	_ =	shalt  }
0x64: {  	_ =	shalt  }
0x65: {  	_ =	shalt  }
0x66: {  	_ =	shalt  }
0x67: {  	_ =	shalt  }
0x68: {  	_ =	shalt  }
0x69: {  	_ =	shalt  }
0x6a: {  	_ =	shalt  }
0x6b: {  	_ =	shalt  }
0x6c: {  	_ =	shalt  }
0x6d: {  	_ =	shalt  }
0x6e: {  	_ =	shalt  }
0x6f: {  	_ =	shalt  }
0x70: {  	_ =	shalt  }
0x71: {  	_ =	shalt  }
0x72: {  	_ =	shalt  }
0x73: {  	_ =	shalt  }
0x74: {  	_ =	shalt  }
0x75: {  	_ =	shalt  }
0x76: {  	_ =	shalt  }
0x77: {  	_ =	shalt  }
0x78: {  	_ =	shalt  }
0x79: {  	_ =	shalt  }
0x7a: {  	_ =	shalt  }
0x7b: {  	_ =	shalt  }
0x7c: {  	_ =	shalt  }
0x7d: {  	_ =	shalt  }
0x7e: {  	_ =	shalt  }
0x7f: {  	_ =	shalt  }
0x80: {  	_ =	shalt  }
0x81: {  	_ =	shalt  }
0x82: {  	_ =	shalt  }
0x83: {  	_ =	shalt  }
0x84: {  	_ =	shalt  }
0x85: {  	_ =	shalt  }
0x86: {  	_ =	shalt  }
0x87: {  	_ =	shalt  }
.Lfunc_end0:
.L_simem_size_0:
called_computation_lowered:
.L_overlay_start_0:
0x88: {  	s2 =	sld [smem:$0x3FD9]  }
0x89: {  	s3 =	sld [smem:$0x3FFE];
	_ =	sdelay $0x1  }
0x8a: {  	s1 =	srdreg.scid  }
0x8b: {  	s0 =	sand.u32 $0x1, s1  }
0x8c: {  	s17 =	sshll.u32 s0, $0xA;
	s2 =	sadd.s32 s3, s2  }
0x8d: {  	s2 =	sadd.s32 s2, s17  }
0x8e: {  	[smem:$0x3FC5] =	sst s2  }
0x8f: {  	_ = 	snop  }
0x90: {  	s2 =	sld [smem:$0x3FC8]  }
0x91: {  	s18 =	sld [smem:$0x3FC7];
	(tm) =	ssettm $0x1  }
0x92: {  	s4 =	sld [smem:$0x3FFB];
	_ =	sdelay $0x3  }
0x93: {  	_ =	strace s4  }
0x94: {  	s4 =	sld [smem:$0x3FFC];
	_ =	sdelay $0x3  }
0x95: {  	_ =	strace s4  }
0x96: {  	s4 =	sld [smem:$0x3FFD];
	_ =	sdelay $0x3  }
0x97: {  	_ =	strace s4  }
0x98: {  	_ =	strace $0x8FFFFFFF  }
0x99: {  	s19 =	sld [smem:$0x3FDB];
	_ =	sdelay $0x1  }
0x9a: {  	s5 =	simm.s32 $_scs_section_size  }
0x9b: {  	s6 =	simm.s32 $_size__tile_overlayer_lowered;
	s7 =	simm.s32 $_tile_overlayer_lowered  }
0x9c: {  	s22 =	simm.s32 $0x1BFF;
	s21 =	sshll.u32 s7, $0x1;
	s4 =	sadd.s32 s5, s19  }
0x9d: {  	s8 =	simm.s32 $0x0;
	s20 =	sshll.u32 s6, $0x1;
	s6 =	sadd.s32 s21, s4  }
0x9e: {  	[timem:s8], [sflag:s22] =	dma.local [hbm:s6], s20  }
0x9f: {  	_ =	swait.ge [sflag:s22], s20  }
0xa0: {  	s5 =	ssub.s32 $0x0, s20;
	[sflag:s22] =	ssyncset.done $0x0  }
0xa1: {  	[sflag:s22] =	ssyncadd.s32 s5;
	_ =	sdelay $0x1  }
0xa2: {  	s23 =	simm.s32 $0x1B8B  }
0xa3: {  	_ =	swait.ge [sflag:s23], $0x1  }
0xa4: {  	[sflag:s23] =	ssyncset.done $0x0  }
0xa5: {  	s25 =	simm.s32 $0x1B8E;
	s24 =	sld [smem:$0x3FFE];
	[sflag:s23] =	ssyncadd.s32 $0xFFFFFFFF  }
0xa6: {  	s26 =	simm.s32 $execute0_lowered;
	[smem:$0x3FD2] =	sst s25  }
0xa7: {  	s6 =	sshll.u32 s26, $0x1;
	_ =	strace $0x80000046;
	[dreg:$0x1] =	wrdreg $0xFFFFFFFF  }
0xa8: {  	s28 =	simm.s32 $_size_execute0_lowered;
	s4 =	sadd.s32 s4, s6;
	[dreg:$0x0] =	wrdreg $0x0  }
0xa9: {  	s6 =	sshll.u32 s28, $0x1;
	[dreg:$0x2] =	wrdreg s4  }
0xaa: {  	[dreg:$0x3] =	wrdreg s6  }
0xab: {  	[dreg:$0x4] =	wrdreg $0xC0  }
0xac: {  	_ =	task [dreg:s8], $0x5FFFF  }
0xad: {  	[dreg:$0x1] =	wrdreg $0xFFFFFFFF  }
0xae: {  	[dreg:$0x0] =	wrdreg $0x60  }
0xaf: {  	[dreg:$0x2] =	wrdreg s2  }
0xb0: {  	[dreg:$0x3] =	wrdreg s18  }
0xb1: {  	[dreg:$0x4] =	wrdreg s24  }
0xb2: {  	[dreg:$0x5] =	wrdreg $0x9  }
0xb3: {  	_ =	task.clear_ibuf [dreg:s8], $0x6FFFF;
	_ =	strace $0x90000046  }
0xb4: {  	s29 =	simm.s32 $0x9;
	_ =	strace $0x80000048  }
0xb5: {  	_ =	swait.ge [sflag:s29], $0x1  }
0xb6: {  	[sflag:s29] =	ssyncadd.s32 $0xFFFFFFFF  }
0xb7: {  	_ =	strace $0x90000048  }
0xb8: {  	_ =	sfence  }
0xb9: {  	s30 =	sld [smem:$0x0];
	_ =	sdelay $0x2  }
0xba: {  	s31 =	sshll.u32 s1, $0xD;
	s1 =	sshrl.u32 s1, $0x2  }
0xbb: {  	s3 =	sand.u32 $0x4000, s31;
	s1 =	sadd.s32 s1, s30  }
0xbc: {  	s0 =	sor.u32 s3, s0;
	s1 =	sshll.u32 s1, $0x11  }
0xbd: {  	s0 =	sor.u32 s1, s0  }
0xbe: {  	s0 =	sadd.s32 $0x8F2B, s0  }
0xbf: {  	[sflag:s0] =	ssyncadd.remote.s32 $0x1  }
0xc0: {  	_ =	sfence.sel $0xFFFF  }
0xc1: {  	[dreg:$0x0] =	wrdreg $0xFFFFFFFF;
	(pc) =	sbr.abs _section_cstart, $3  }
0xc2: {  	[dreg:$0x1] =	wrdreg $0xFFFFFFFF  }
0xc3: {  	_ =	task.clear_ibuf [dreg:s8], $0x2FFFF;
	_ =	strace $0x9FFFFFFF  }
0xc4: {  	(tm) =	ssettm $0x7FFFFFFF  }
0xc5: {  	_ =	shalt  }
tec
execute0_lowered:
.L_overlay_start_1:
0x0: {  	(tag) =	ssettag $0x1  }
0x1: {  	s2 =	rddreg [dreg:$0x0]  }
0x2: {  	s3 =	rddreg [dreg:$0x1]  }
0x3: {  	s6 =	rddreg [dreg:$0x2];
	s4 =	srdreg.scid  }
0x4: {  	s1 =	stileid.u32;
	s0 =	rddreg [dreg:$0x3]  }
0x5: {  	s11 =	simm.s32 $0x2710;
	s12 =	simm.s32 $0x4F00;
	s13 =	simm.s32 $0x9E00  }
0x6: {  	s14 =	simm.s32 $0x2780;
	s15 =	simm.s32 $0x6;
	s16 =	simm.s32 $0x7680  }
0x7: {  	s17 =	simm.s32 $0xC580;
	s18 =	simm.s32 $0x1;
	s19 =	simm.s32 $0x2  }
0x8: {  	s20 =	simm.s32 $0x3;
	s21 =	simm.s32 $0x0;
	s5 =	sand.u32 $0x1, s4  }
.Ltmp0:
0x9: {  	s7 =	sshll.u32 s1, $0x1;
	s4 =	simm.s32 $0x0;
	(pc) =	sbr.rel .LBB2_1-.Ltmp0, $4  }
0xa: {  	s6 =	sadd.s32 $0x1000, s6;
	s8 =	ssub.s32 $0x2, s5;
	s5 =	sor.u32 s5, s7  }
0xb: {  	[smem:$0x7FF] =	sst s4;
	s31 =	sshrl.u32 s8, $0x1;
	s9 =	smul.u32 $0x4E2, s5  }
0xc: {  	_ =	strace $0x80000047;
	s10 =	ssub.s32 s8, s31;
	s8 =	sor.u32 $0x40, s5  }
0xd: {  	s7 =	sadd.s32 s3, s9;
	s9 =	smax.u32 s10, $0x1;
	s10 =	simm.s32 $0x5  }
.LBB2_12:
0xe: {  	s21 =	sadd.s32 $0x1, s21  }
0xf: {  	p0 =	sne.s32 s21, s9  }
.Ltmp1:
0x10: {  	_ = 	snop;
	(pc) =	sbr.rel @!p0 .LBB2_13-.Ltmp1, $4  }
0x11: {  	[hbm4b:s24+s4] =	stream.linear.scatter [tilespmem:s17], [sflag:$0x5], $0x2710, $0x38;
	[tilespmem:$0xED00] =	vst v63  }
0x12: {  	_ =	swait.ge [sflag:s10], $0x2710  }
0x13: {  	[sflag:s10] =	ssyncset.done $0x0  }
0x14: {  	[sflag:s10] =	ssyncadd.s32 $0xFFFFD8F0  }
.LBB2_1:
0x15: {  	[tilespmem:s4], [sflag:$0x5] =	stream.linear.gather [hbm4b:s7+s4], $0x2710, $0x38;
	[tilespmem:$0xED00] =	vst v63  }
0x16: {  	_ =	swait.ge [sflag:s10], $0x2710  }
0x17: {  	[sflag:s10] =	ssyncset.done $0x0  }
0x18: {  	s22 =	simm.s32 $0x0;
	[sflag:s10] =	ssyncadd.s32 $0xFFFFD8F0  }
0x19: {  	v0 =	vld [tilespmem:s22+$0x0]  }
0x1a: {  	s23 =	simm.s32 $0x40  }
.LBB2_2:
0x1b: {  	p0 =	sne.s32 s23, $0x9C00  }
.Ltmp2:
0x1c: {  	_ = 	snop;
	(pc) =	sbr.rel @p0 .LBB2_2-.Ltmp2, $4  }
0x1d: {  	_ = 	snop  }
0x1e: {  	s24 =	sshra.s32 s23, $0x2;
	s23 =	sadd.s32 $0x40, s23;
	vm0 =	vlt.s32 v0, $0x61A800  }
0x1f: {  	v1 =	vnsel vm0, $0xFFFFFFFF, v0;
	v0 =	vld [tilespmem:s24+$0x0]  }
0x20: {  	[tilespmem:s22+$0x4F00] =	vst v1;
	s22 =	smov.u32 s24  }
0x21: {  	_ =	sdelay $0x2  }
0x22: {  	vm0 =	vlt.s32 v0, $0x61A800  }
0x23: {  	v0 =	vnsel vm0, $0xFFFFFFFF, v0  }
0x24: {  	[tilespmem:s22+$0x4F00] =	vst v0;
	(ifvalue) =	ssetifvalue $0xFFFFFFFF  }
0x25: {  	s23 =	simm.s32 $0x0;
	s22 =	simm.s32 $0x0;
	(ifvalue) =	ssetifvalue $0xFFFFFFFF  }
0x26: {  	[tilespmem:s13], [sflag:$0x1] =	stream.indirect.gather [hbm4b:s2+s11], $0x1, s12, s11, $0x40b8;
	[tilespmem:$0xED00] =	vst v63  }
.LBB2_4:
0x27: {  	s25 =	sshll.u32 s23, $0x6  }
0x28: {  	s24 =	sor.u32 s25, s5  }
0x29: {  	s26 =	smul.u32 $0x4E2, s24;
	_ =	sdelay $0x1  }
0x2a: {  	s24 =	sadd.s32 $0x9C40, s26  }
0x2b: {  	s28 =	sadd.s32 s3, s24  }
0x2c: {  	[tilespmem:s14], [sflag:$0x6] =	stream.linear.gather [hbm4b:s28+s22], $0x2710, $0x38;
	[tilespmem:$0xED00] =	vst v63  }
0x2d: {  	_ =	swait.ge [sflag:s15], $0x2710  }
0x2e: {  	[sflag:s15] =	ssyncset.done $0x0  }
0x2f: {  	s28 =	simm.s32 $0x0;
	[sflag:s15] =	ssyncadd.s32 $0xFFFFD8F0  }
0x30: {  	v0 =	vld [tilespmem:s28+$0x2780]  }
0x31: {  	s29 =	simm.s32 $0x40  }
.LBB2_5:
0x32: {  	p0 =	sne.s32 s29, $0x9C00  }
.Ltmp3:
0x33: {  	_ = 	snop;
	(pc) =	sbr.rel @p0 .LBB2_5-.Ltmp3, $4  }
0x34: {  	_ = 	snop  }
0x35: {  	s30 =	sshra.s32 s29, $0x2;
	s29 =	sadd.s32 $0x40, s29;
	vm0 =	vlt.s32 v0, $0x61A800  }
0x36: {  	v1 =	vnsel vm0, $0xFFFFFFFF, v0;
	v0 =	vld [tilespmem:s30+$0x2780]  }
0x37: {  	[tilespmem:s28+$0x7680] =	vst v1;
	s28 =	smov.u32 s30  }
0x38: {  	_ =	sdelay $0x2  }
0x39: {  	vm0 =	vlt.s32 v0, $0x61A800  }
0x3a: {  	p0 =	seq.s32 s23, $0x0;
	v0 =	vnsel vm0, $0xFFFFFFFF, v0  }
0x3b: {  	[tilespmem:s28+$0x7680] =	vst v0;
	s28 =	simm.s32 @!p0 $0x4  }
0x3c: {  	_ =	swait.ge @!p0 [sflag:s28], $0x2710  }
0x3d: {  	[sflag:s28] =	ssyncset.done @!p0 $0x0  }
0x3e: {  	[sflag:s28] =	ssyncadd.s32 @!p0 $0xFFFFD8F0;
	(ifvalue) =	ssetifvalue $0xFFFFFFFF;
	p0 =	seq.s32 s23, $0x4  }
.Ltmp4:
0x3f: {  	(ifvalue) =	ssetifvalue $0xFFFFFFFF;
	(pc) =	sbr.rel @!p0 .LBB2_7-.Ltmp4, $4  }
0x40: {  	[tilespmem:s17], [sflag:$0x2] =	stream.indirect.gather [hbm4b:s2+s11], $0x1, s16, s11, $0x40b8;
	[tilespmem:$0xED00] =	vst v63  }
0x41: {  	_ =	swait.ge [sflag:s18], $0x2710  }
0x42: {  	[sflag:s18] =	ssyncset.done $0x0  }
0x43: {  	s26 =	sadd.s32 s6, s26;
	[sflag:s18] =	ssyncadd.s32 $0xFFFFD8F0  }
.Ltmp5:
0x44: {  	(pc) =	sbr.rel .LBB2_10-.Ltmp5, $4  }
0x45: {  	[hbm4b:s26+s4] =	stream.linear.scatter [tilespmem:s13], [sflag:$0x6], $0x2710, $0x38;
	[tilespmem:$0xED00] =	vst v63  }
0x46: {  	_ =	swait.ge [sflag:s15], $0x2710  }
0x47: {  	[sflag:s15] =	ssyncset.done $0x0  }
0x48: {  	[sflag:s15] =	ssyncadd.s32 $0xFFFFD8F0  }
.LBB2_7:
0x49: {  	s25 =	sadd.s32 s8, s25  }
0x4a: {  	s28 =	simm.s32 $0x0;
	s25 =	smul.u32 $0x4E2, s25  }
0x4b: {  	[hbm4b:s26+s28] =	stream.linear.scatter [tilespmem:s13], [sflag:$0x3], $0x2710, $0x38;
	[tilespmem:$0xED00] =	vst v63  }
0x4c: {  	s25 =	sadd.s32 s3, s25  }
0x4d: {  	[tilespmem:s28], [sflag:$0x6] =	stream.linear.gather [hbm4b:s25+s28], $0x2710, $0x38;
	[tilespmem:$0xED00] =	vst v63  }
0x4e: {  	_ =	swait.ge [sflag:s15], $0x2710  }
0x4f: {  	[sflag:s15] =	ssyncset.done $0x0  }
0x50: {  	s25 =	simm.s32 $0x0;
	[sflag:s15] =	ssyncadd.s32 $0xFFFFD8F0  }
0x51: {  	v0 =	vld [tilespmem:s25+$0x0]  }
0x52: {  	s26 =	simm.s32 $0x40  }
.LBB2_8:
0x53: {  	p1 =	sne.s32 s26, $0x9C00  }
.Ltmp6:
0x54: {  	_ = 	snop;
	(pc) =	sbr.rel @p1 .LBB2_8-.Ltmp6, $4  }
0x55: {  	_ = 	snop  }
0x56: {  	s28 =	sshra.s32 s26, $0x2;
	s26 =	sadd.s32 $0x40, s26;
	vm0 =	vlt.s32 v0, $0x61A800  }
0x57: {  	v1 =	vnsel vm0, $0xFFFFFFFF, v0;
	v0 =	vld [tilespmem:s28+$0x0]  }
0x58: {  	[tilespmem:s25+$0x4F00] =	vst v1;
	s25 =	smov.u32 s28  }
0x59: {  	_ =	sdelay $0x2  }
0x5a: {  	vm0 =	vlt.s32 v0, $0x61A800  }
0x5b: {  	v0 =	vnsel vm0, $0xFFFFFFFF, v0  }
0x5c: {  	[tilespmem:s25+$0x4F00] =	vst v0  }
0x5d: {  	_ =	swait.ge [sflag:s20], $0x2710  }
0x5e: {  	[sflag:s20] =	ssyncset.done $0x0  }
0x5f: {  	[sflag:s20] =	ssyncadd.s32 $0xFFFFD8F0;
	(ifvalue) =	ssetifvalue $0xFFFFFFFF  }
0x60: {  	(ifvalue) =	ssetifvalue $0xFFFFFFFF  }
0x61: {  	[tilespmem:s13], [sflag:$0x1] =	stream.indirect.gather [hbm4b:s2+s11], $0x1, s12, s11, $0x40b8;
	[tilespmem:$0xED00] =	vst v63  }
.LBB2_10:
.Ltmp7:
0x62: {  	(pc) =	sbr.rel @p0 .LBB2_12-.Ltmp7, $4  }
0x63: {  	_ = 	snop  }
0x64: {  	_ =	swait.ge [sflag:s19], $0x2710  }
0x65: {  	[sflag:s19] =	ssyncset.done $0x0  }
0x66: {  	s24 =	sadd.s32 s6, s24;
	[sflag:s19] =	ssyncadd.s32 $0xFFFFD8F0  }
.Ltmp8:
0x67: {  	(pc) =	sbr.rel .LBB2_4-.Ltmp8, $3  }
0x68: {  	_ =	sdelay $0x1  }
0x69: {  	[hbm4b:s24+s4] =	stream.linear.scatter [tilespmem:s17], [sflag:$0x4], $0x2710, $0x38;
	[tilespmem:$0xED00] =	vst v63  }
0x6a: {  	s23 =	sadd.s32 $0x1, s23  }
.LBB2_13:
0x6b: {  	_ =	sfence.sel $0x180000  }
0x6c: {  	[bflag:$0x0] =	sbarrier.arrive $0xFFFF  }
0x6d: {  	p0 =	sne.s32 s1, $0x0;
	_ =	strace $0x90000047  }
0x6e: {  	s0 =	sadd.s32 @!p0 $0x100000, s0;
	[bflag:$0x2] =	sbarrier.arrive $0xFFFF  }
0x6f: {  	[sflag:s0] =	ssyncadd.tile.s32 @!p0 $0x1;
	_ =	shalt  }
.Lfunc_end2:
_tile_overlayer_lowered:
.L_overlay_start_2:
0x70: {  	(tag) =	ssettag $0x2  }
0x71: {  	s0 =	rddreg [dreg:$0x0];
	s2 =	stileid.u32  }
0x72: {  	s1 =	rddreg [dreg:$0x1];
	p0 =	sne.s32 s2, $0x0  }
0x73: {  	s3 =	rddreg [dreg:$0x2];
	[bflag:$0x3] =	sbarrier.arrive $0xFFFF;
	s2 =	simm.s32 @!p0 $0x1C05  }
0x74: {  	[timem:s3], [sflag:s2] =	dma.local @!p0 [hbm:s0], s1  }
0x75: {  	s0 =	simm.s32 @!p0 $0x5  }
0x76: {  	_ =	swait.ge @!p0 [sflag:s0], s1  }
0x77: {  	s1 =	ssub.s32 @!p0 $0x0, s1;
	[sflag:s0] =	ssyncset.done @!p0 $0x0  }
0x78: {  	[sflag:s0] =	ssyncadd.s32 @!p0 s1  }
0x79: {  	[bflag:$0x3] =	sbarrier.arrive $0xFFFF  }
0x7a: {  	_ =	shalt  }

// kernel: kernel.9.cloned.1.call-start
scs
__scs_entry_jumppad:
0x0: {  	(pc) =	sbr.rel $0x88, $3  }
0x1: {  	(tag) =	ssettag $0x0;
	lr =	simm.s32 $0x1  }
0x2: {  	[smem:$0x3F9E] =	sst lr;
	_ =	strace $0xD0000000  }
0x3: {  	_ = 	snop  }
0x4: {  	_ = 	snop  }
0x5: {  	_ = 	snop  }
0x6: {  	_ = 	snop  }
0x7: {  	_ = 	snop  }
__scs_overlays_trampoline_lowered:
0x8: {  	[smem:$0x3FAD] =	sst s0  }
0x9: {  	[smem:$0x3FAE] =	sst s1  }
0xa: {  	[smem:$0x3FAF] =	sst s2  }
0xb: {  	[smem:$0x3FB0] =	sst s3  }
0xc: {  	[smem:$0x3FB1] =	sst s4  }
0xd: {  	[smem:$0x3FB2] =	sst s5  }
0xe: {  	[smem:$0x3FB3] =	sst s6  }
0xf: {  	[smem:$0x3FB4] =	sst s7  }
0x10: {  	[smem:$0x3FB5] =	sst s8  }
0x11: {  	[smem:$0x3FB6] =	sst s9;
	s0 =	simm.s32 @!p0 $0x0  }
0x12: {  	s1 =	sld [smem:$0x3F9C];
	s0 =	simm.s32 @p0 $0x1  }
0x13: {  	[smem:$0x3FB7] =	sst s0;
	s0 =	simm.s32 @!p1 $0x0  }
0x14: {  	s2 =	sld [smem:$0x3F9B];
	s0 =	simm.s32 @p1 $0x1  }
0x15: {  	[smem:$0x3FB8] =	sst s0;
	s0 =	simm.s32 @!p2 $0x0  }
0x16: {  	s3 =	sld [smem:$0x3FDB];
	s0 =	simm.s32 @p2 $0x1  }
0x17: {  	s4 =	simm.s32 $0x1BF5;
	[smem:$0x3FBA] =	sst s0  }
0x18: {  	s0 =	sld [smem:$0x3F9D];
	_ =	swait.ge [sflag:s4], $0x0  }
0x19: {  	s7 =	sld [smem:$0x3F9E]  }
0x1a: {  	s8 =	sadd.s32 $0xFFFFE003, lr  }
0x1b: {  	s9 =	sadd.s32 $0xFFFFFEF7, lr;
	s5 =	simm.s32 $0xFFFFFFFF;
	p2 =	slt.u32 s8, $0xFFFFF086  }
0x1c: {  	p1 =	slt.u32 s9, $0xF7A;
	s5 =	simm.s32 @!p2 $0x0  }
0x1d: {  	s5 =	simm.s32 @p1 $0x1;
	p0 =	seq.s32 s7, s2  }
0x1e: {  	s7 =	smul.u32 @!p0 $0xF7A, s2;
	p2 =	seq.s32 @!p0 s5, $0x0  }
0x1f: {  	s9 =	smul.u32 $0xF7A, s1;
	s8 =	simm.s32 @!p0 $0x1BF5;
	p2 =	por !p2, p0  }
0x20: {  	[sflag:s8] =	ssyncset.s32 @!p0 $0xFFFFF086;
	s6 =	sadd.s32 @!p0 s3, s7;
	s7 =	simm.s32 @!p0 $0x108  }
0x21: {  	s3 =	sadd.s32 s3, s9;
	s6 =	sadd.s32 @!p0 $0x88, s6;
	s7 =	simm.s32 @p2 $0x1082  }
0x22: {  	[simem:s7], [sflag:s8] =	dma.local @!p0 [hbm:s6], $0xF7A  }
0x23: {  	s9 =	sor.u32 $0xD0000000, s2;
	s6 =	simm.s32 $0x108;
	_ =	swait.ge @!p0 [sflag:s8], $0x0  }
0x24: {  	s3 =	sadd.s32 $0x88, s3;
	s6 =	simm.s32 @!p1 $0x1082;
	[sflag:s4] =	ssyncset.s32 $0xFFFFF086  }
0x25: {  	[simem:s6], [sflag:s4] =	dma.local [hbm:s3], $0xF7A  }
0x26: {  	[smem:$0x3F9E] =	sst s1;
	(tag) =	ssettag s2;
	_ =	strace s9  }
0x27: {  	s1 =	sld [smem:$0x3FAE]  }
0x28: {  	s2 =	sld [smem:$0x3FAF]  }
0x29: {  	s4 =	sld [smem:$0x3FB1]  }
0x2a: {  	p0 =	seq.s32 s5, $0x0;
	s5 =	sld [smem:$0x3FB2]  }
0x2b: {  	s6 =	sld [smem:$0x3FB3]  }
0x2c: {  	s7 =	sld [smem:$0x3FB4]  }
0x2d: {  	s3 =	simm.s32 $0x108;
	s8 =	sld [smem:$0x3FB5]  }
0x2e: {  	s3 =	simm.s32 @!p0 $0x1082;
	s9 =	sld [smem:$0x3FB6]  }
0x2f: {  	lr =	sadd.s32 s0, s3;
	s0 =	sld [smem:$0x3FAD]  }
0x30: {  	s3 =	sld [smem:$0x3FB0]  }
0x31: {  	[smem:$0x3FB9] =	sst s10  }
0x32: {  	s10 =	sld [smem:$0x3FB7];
	_ =	sdelay $0x3  }
0x33: {  	p0 =	seq.s32 s10, $0x1;
	s10 =	sld [smem:$0x3FB9];
	_ =	sdelay $0x3  }
0x34: {  	[smem:$0x3FB9] =	sst s10  }
0x35: {  	s10 =	sld [smem:$0x3FB8];
	_ =	sdelay $0x3  }
0x36: {  	p1 =	seq.s32 s10, $0x1;
	s10 =	sld [smem:$0x3FB9];
	_ =	sdelay $0x3  }
0x37: {  	[smem:$0x3FB9] =	sst s10  }
0x38: {  	s10 =	sld [smem:$0x3FBA]  }
0x39: {  	_ = 	snop;
	(pc) =	sbr.ind lr, $3  }
0x3a: {  	_ = 	snop  }
0x3b: {  	_ = 	snop  }
0x3c: {  	p2 =	seq.s32 s10, $0x1;
	s10 =	sld [smem:$0x3FB9]  }
0x3d: {  	_ =	shalt  }
0x3e: {  	_ =	shalt  }
0x3f: {  	_ =	shalt  }
0x40: {  	_ =	shalt  }
0x41: {  	_ =	shalt  }
0x42: {  	_ =	shalt  }
0x43: {  	_ =	shalt  }
0x44: {  	_ =	shalt  }
0x45: {  	_ =	shalt  }
0x46: {  	_ =	shalt  }
0x47: {  	_ =	shalt  }
0x48: {  	_ =	shalt  }
0x49: {  	_ =	shalt  }
0x4a: {  	_ =	shalt  }
0x4b: {  	_ =	shalt  }
0x4c: {  	_ =	shalt  }
0x4d: {  	_ =	shalt  }
0x4e: {  	_ =	shalt  }
0x4f: {  	_ =	shalt  }
0x50: {  	_ =	shalt  }
0x51: {  	_ =	shalt  }
0x52: {  	_ =	shalt  }
0x53: {  	_ =	shalt  }
0x54: {  	_ =	shalt  }
0x55: {  	_ =	shalt  }
0x56: {  	_ =	shalt  }
0x57: {  	_ =	shalt  }
0x58: {  	_ =	shalt  }
0x59: {  	_ =	shalt  }
0x5a: {  	_ =	shalt  }
0x5b: {  	_ =	shalt  }
0x5c: {  	_ =	shalt  }
0x5d: {  	_ =	shalt  }
0x5e: {  	_ =	shalt  }
0x5f: {  	_ =	shalt  }
0x60: {  	_ =	shalt  }
0x61: {  	_ =	shalt  }
0x62: {  	_ =	shalt  }
0x63: {  	_ =	shalt  }
0x64: {  	_ =	shalt  }
0x65: {  	_ =	shalt  }
0x66: {  	_ =	shalt  }
0x67: {  	_ =	shalt  }
0x68: {  	_ =	shalt  }
0x69: {  	_ =	shalt  }
0x6a: {  	_ =	shalt  }
0x6b: {  	_ =	shalt  }
0x6c: {  	_ =	shalt  }
0x6d: {  	_ =	shalt  }
0x6e: {  	_ =	shalt  }
0x6f: {  	_ =	shalt  }
0x70: {  	_ =	shalt  }
0x71: {  	_ =	shalt  }
0x72: {  	_ =	shalt  }
0x73: {  	_ =	shalt  }
0x74: {  	_ =	shalt  }
0x75: {  	_ =	shalt  }
0x76: {  	_ =	shalt  }
0x77: {  	_ =	shalt  }
0x78: {  	_ =	shalt  }
0x79: {  	_ =	shalt  }
0x7a: {  	_ =	shalt  }
0x7b: {  	_ =	shalt  }
0x7c: {  	_ =	shalt  }
0x7d: {  	_ =	shalt  }
0x7e: {  	_ =	shalt  }
0x7f: {  	_ =	shalt  }
0x80: {  	_ =	shalt  }
0x81: {  	_ =	shalt  }
0x82: {  	_ =	shalt  }
0x83: {  	_ =	shalt  }
0x84: {  	_ =	shalt  }
0x85: {  	_ =	shalt  }
0x86: {  	_ =	shalt  }
0x87: {  	_ =	shalt  }
.Lfunc_end0:
.L_simem_size_0:
called_computation.1_lowered:
.L_overlay_start_0:
0x88: {  	s2 =	sld [smem:$0x3FD9]  }
0x89: {  	s3 =	sld [smem:$0x3FFE];
	_ =	sdelay $0x1  }
0x8a: {  	s1 =	srdreg.scid  }
0x8b: {  	s0 =	sand.u32 $0x1, s1  }
0x8c: {  	s15 =	sshll.u32 s0, $0xA;
	s2 =	sadd.s32 s3, s2  }
0x8d: {  	s2 =	sadd.s32 s2, s15  }
0x8e: {  	[smem:$0x3FC5] =	sst s2  }
0x8f: {  	_ = 	snop  }
0x90: {  	s16 =	sld [smem:$0x3FD0];
	_ =	sdelay $0x2  }
0x91: {  	s4 =	simm.s32 $0xB;
	s5 =	simm.s32 $0x10;
	s2 =	sld [smem:$0x3FC7]  }
0x92: {  	[smem:s5], [sflag:s4] =	dma.local [hbm:s16], $0x1  }
0x93: {  	_ =	swait.eq [sflag:s4], $0x1  }
0x94: {  	[sflag:s4] =	ssyncset.done $0x0  }
0x95: {  	[sflag:s4] =	ssyncadd.s32 $0xFFFFFFFF  }
0x96: {  	s17 =	sld [smem:$0x10];
	(tm) =	ssettm $0x1  }
0x97: {  	s18 =	sld [smem:$0x3FFB];
	_ =	sdelay $0x3  }
0x98: {  	_ =	strace s18  }
0x99: {  	s3 =	sld [smem:$0x3FFC];
	_ =	sdelay $0x3  }
0x9a: {  	_ =	strace s3  }
0x9b: {  	s3 =	sld [smem:$0x3FFD];
	_ =	sdelay $0x3  }
0x9c: {  	_ =	strace s3  }
0x9d: {  	_ =	strace $0x8FFFFFFF  }
0x9e: {  	s19 =	sld [smem:$0x3FDB];
	_ =	sdelay $0x1  }
0x9f: {  	s20 =	simm.s32 $_scs_section_size  }
0xa0: {  	s6 =	simm.s32 $_size__tile_overlayer_lowered;
	s7 =	simm.s32 $_tile_overlayer_lowered  }
0xa1: {  	s8 =	simm.s32 $0x1BFF;
	s21 =	sshll.u32 s7, $0x1;
	s5 =	sadd.s32 s20, s19  }
0xa2: {  	s22 =	simm.s32 $0x0;
	s6 =	sshll.u32 s6, $0x1;
	s7 =	sadd.s32 s21, s5  }
0xa3: {  	[timem:s22], [sflag:s8] =	dma.local [hbm:s7], s6  }
0xa4: {  	_ =	swait.ge [sflag:s8], s6  }
0xa5: {  	s6 =	ssub.s32 $0x0, s6;
	[sflag:s8] =	ssyncset.done $0x0  }
0xa6: {  	[sflag:s8] =	ssyncadd.s32 s6;
	_ =	sdelay $0x1  }
0xa7: {  	s23 =	simm.s32 $0x1B8B  }
0xa8: {  	_ =	swait.ge [sflag:s23], $0x1  }
0xa9: {  	[sflag:s23] =	ssyncset.done $0x0  }
0xaa: {  	[sflag:s23] =	ssyncadd.s32 $0xFFFFFFFF  }
0xab: {  	s6 =	sld [smem:$0x0]  }
0xac: {  	s7 =	sand.u32 $0xFFFFFFFE, s1  }
0xad: {  	p0 =	sne.s32 s1, s7  }
0xae: {  	s7 =	sshll.u32 @p0 s7, $0xE  }
0xaf: {  	s7 =	sadd.s32 @p0 $0x11B8D, s7;
	s8 =	sshll.u32 @p0 s6, $0x11  }
0xb0: {  	s7 =	sor.u32 @p0 s8, s7  }
0xb1: {  	[sflag:s7] =	ssyncadd.remote.s32 @p0 $0x1;
	_ =	sdelay $0x1  }
0xb2: {  	s7 =	simm.s32 @p0 $0x1B8D  }
0xb3: {  	_ =	swait.eq @p0 [sflag:s7], $0x1  }
0xb4: {  	[sflag:s7] =	ssyncadd.s32 @p0 $0xFFFFFFFF  }
0xb5: {  	s8 =	sshll.u32 @!p0 s1, $0xE  }
0xb6: {  	s8 =	sor.u32 @!p0 $0x4000, s8;
	s7 =	simm.s32 @!p0 $0x1B8D  }
0xb7: {  	s6 =	sshll.u32 @!p0 s6, $0x11;
	s8 =	sadd.s32 @!p0 $0x11B8D, s8;
	_ =	swait.eq @!p0 [sflag:s7], $0x1  }
0xb8: {  	s6 =	sor.u32 @!p0 s6, s8;
	[sflag:s7] =	ssyncadd.s32 @!p0 $0xFFFFFFFF  }
0xb9: {  	s25 =	simm.s32 $0x1B8E;
	s24 =	sld [smem:$0x3FFE];
	[sflag:s6] =	ssyncadd.remote.s32 @!p0 $0x1  }
0xba: {  	s26 =	simm.s32 $execute0_lowered;
	[smem:$0x3FD2] =	sst s25  }
0xbb: {  	s7 =	sshll.u32 s26, $0x1;
	_ =	strace $0x80000049;
	[dreg:$0x1] =	wrdreg $0xFFFFFFFF  }
0xbc: {  	s28 =	simm.s32 $_size_execute0_lowered;
	s5 =	sadd.s32 s5, s7;
	[dreg:$0x0] =	wrdreg $0x0  }
0xbd: {  	s7 =	sshll.u32 s28, $0x1;
	[dreg:$0x2] =	wrdreg s5  }
0xbe: {  	[dreg:$0x3] =	wrdreg s7  }
0xbf: {  	[dreg:$0x4] =	wrdreg $0xC0  }
0xc0: {  	_ =	task [dreg:s22], $0x5FFFF  }
0xc1: {  	[dreg:$0x1] =	wrdreg $0xFFFFFFFF  }
0xc2: {  	[dreg:$0x0] =	wrdreg $0x60  }
0xc3: {  	[dreg:$0x2] =	wrdreg s17  }
0xc4: {  	[dreg:$0x3] =	wrdreg s24  }
0xc5: {  	[dreg:$0x4] =	wrdreg s2  }
0xc6: {  	[dreg:$0x5] =	wrdreg $0xA  }
0xc7: {  	_ =	task.clear_ibuf [dreg:s22], $0x6FFFF;
	_ =	strace $0x90000049  }
0xc8: {  	s29 =	simm.s32 $0xA;
	_ =	strace $0x8000004B  }
0xc9: {  	_ =	swait.ge [sflag:s29], $0x1  }
0xca: {  	[sflag:s29] =	ssyncadd.s32 $0xFFFFFFFF  }
0xcb: {  	_ =	strace $0x9000004B  }
0xcc: {  	_ =	sfence  }
0xcd: {  	s30 =	sld [smem:$0x0];
	_ =	sdelay $0x2  }
0xce: {  	s31 =	sshll.u32 s1, $0xD;
	s1 =	sshrl.u32 s1, $0x2  }
0xcf: {  	s4 =	sand.u32 $0x4000, s31;
	s1 =	sadd.s32 s1, s30  }
0xd0: {  	s0 =	sor.u32 s4, s0;
	s1 =	sshll.u32 s1, $0x11  }
0xd1: {  	s0 =	sor.u32 s1, s0  }
0xd2: {  	s0 =	sadd.s32 $0x8F2B, s0  }
0xd3: {  	[sflag:s0] =	ssyncadd.remote.s32 $0x1  }
0xd4: {  	_ =	sfence.sel $0xFFFF  }
0xd5: {  	[dreg:$0x0] =	wrdreg $0xFFFFFFFF;
	(pc) =	sbr.abs _section_cstart, $3  }
0xd6: {  	[dreg:$0x1] =	wrdreg $0xFFFFFFFF  }
0xd7: {  	_ =	task.clear_ibuf [dreg:s22], $0x2FFFF;
	_ =	strace $0x9FFFFFFF  }
0xd8: {  	(tm) =	ssettm $0x7FFFFFFF  }
0xd9: {  	_ =	shalt  }
tec
execute0_lowered:
.L_overlay_start_1:
0x0: {  	(tag) =	ssettag $0x1  }
0x1: {  	s1 =	rddreg [dreg:$0x0]  }
0x2: {  	s0 =	rddreg [dreg:$0x1]  }
0x3: {  	s3 =	rddreg [dreg:$0x2];
	s4 =	simm.s32 $0x0  }
0x4: {  	s2 =	srdreg.scid;
	s5 =	stileid.u32;
	s15 =	simm.s32 $0x2710  }
0x5: {  	s16 =	simm.s32 $0x4F00;
	s17 =	simm.s32 $0x9E00;
	s18 =	simm.s32 $0xC580  }
0x6: {  	s19 =	simm.s32 $0xED00;
	s20 =	simm.s32 $0x2780;
	s21 =	simm.s32 $0x6  }
0x7: {  	s22 =	simm.s32 $0x7680;
	s23 =	simm.s32 $0x11480;
	s24 =	simm.s32 $0x13C00  }
0x8: {  	s25 =	simm.s32 $0x16380;
	s28 =	simm.s32 $0x2;
	s29 =	simm.s32 $0x3  }
0x9: {  	[smem:$0x7FF] =	sst s4;
	s2 =	sand.u32 $0x1, s2;
	s6 =	sshll.u32 s5, $0x1  }
0xa: {  	s7 =	sadd.s32 $0x126200, s0;
	s8 =	sadd.s32 $0x1E9800, s0;
	s6 =	sor.u32 s2, s6  }
0xb: {  	s5 =	sadd.s32 $0x62C00, s0;
	s9 =	sadd.s32 $0x24B400, s0;
	s11 =	smul.u32 $0x4E2, s6  }
.Ltmp0:
0xc: {  	s10 =	sadd.s32 $0x2AD000, s0;
	s2 =	ssub.s32 $0x2, s2;
	(pc) =	sbr.rel .LBB2_1-.Ltmp0, $4  }
0xd: {  	_ =	strace $0x8000004A;
	s12 =	sshrl.u32 s2, $0x1;
	s31 =	sor.u32 $0x40, s6  }
0xe: {  	s26 =	ssub.s32 s2, s12;
	[dreg:$0x5] =	wrdreg s31;
	s30 =	sadd.s32 s3, s11  }
0xf: {  	s2 =	simm.s32 $0x5;
	s0 =	smax.u32 s26, $0x1;
	[dreg:$0x4] =	wrdreg s30  }
0x10: {  	s26 =	simm.s32 $0x1;
	s11 =	simm.s32 $0x0;
	[dreg:$0x6] =	wrdreg s0  }
.LBB2_12:
0x11: {  	[hbm4b:s11+s4] =	stream.linear.scatter [tilespmem:s23], [sflag:$0x6], $0x2710, $0x38;
	[tilespmem:$0x18B00] =	vst v63  }
0x12: {  	_ =	swait.ge [sflag:s21], $0x2710  }
0x13: {  	[sflag:s21] =	ssyncset.done $0x0  }
0x14: {  	s0 =	sadd.s32 s9, s31;
	[sflag:s21] =	ssyncadd.s32 $0xFFFFD8F0  }
0x15: {  	[hbm4b:s0+s4] =	stream.linear.scatter [tilespmem:s24], [sflag:$0x6], $0x2710, $0x38;
	[tilespmem:$0x18B00] =	vst v63  }
0x16: {  	_ =	swait.ge [sflag:s21], $0x2710  }
0x17: {  	[sflag:s21] =	ssyncset.done $0x0  }
0x18: {  	s14 =	sadd.s32 s10, s31;
	s2 =	simm.s32 $0x5;
	[sflag:s21] =	ssyncadd.s32 $0xFFFFD8F0  }
0x19: {  	[hbm4b:s14+s4] =	stream.linear.scatter [tilespmem:s25], [sflag:$0x5], $0x2710, $0x38;
	[tilespmem:$0x18B00] =	vst v63  }
0x1a: {  	_ =	swait.ge [sflag:s2], $0x2710  }
0x1b: {  	s30 =	rddreg [dreg:$0x7]  }
0x1c: {  	s31 =	rddreg [dreg:$0x6];
	s11 =	sadd.s32 $0x1, s30  }
0x1d: {  	p0 =	sne.s32 s11, s31  }
.Ltmp1:
0x1e: {  	_ = 	snop;
	(pc) =	sbr.rel @!p0 .LBB2_13-.Ltmp1, $3  }
0x1f: {  	_ =	sdelay $0x1  }
0x20: {  	[sflag:s2] =	ssyncset.done $0x0  }
0x21: {  	[sflag:s2] =	ssyncadd.s32 $0xFFFFD8F0  }
.LBB2_1:
0x22: {  	[dreg:$0x7] =	wrdreg s11  }
0x23: {  	s0 =	rddreg [dreg:$0x4]  }
0x24: {  	[tilespmem:s4], [sflag:$0x5] =	stream.linear.gather [hbm4b:s0+s4], $0x2710, $0x38;
	[tilespmem:$0x18B00] =	vst v63  }
0x25: {  	_ =	swait.ge [sflag:s2], $0x2710  }
0x26: {  	[sflag:s2] =	ssyncset.done $0x0  }
0x27: {  	s0 =	simm.s32 $0x0;
	[sflag:s2] =	ssyncadd.s32 $0xFFFFD8F0  }
0x28: {  	v0 =	vld [tilespmem:s0+$0x0]  }
0x29: {  	s2 =	simm.s32 $0x40  }
.LBB2_2:
0x2a: {  	p0 =	sne.s32 s2, $0x9C00  }
.Ltmp2:
0x2b: {  	_ = 	snop;
	(pc) =	sbr.rel @p0 .LBB2_2-.Ltmp2, $4  }
0x2c: {  	_ = 	snop  }
0x2d: {  	s11 =	sshra.s32 s2, $0x2;
	s2 =	sadd.s32 $0x40, s2;
	vm0 =	vlt.s32 v0, $0x61A800  }
0x2e: {  	v1 =	vnsel vm0, $0xFFFFFFFF, v0;
	v0 =	vld [tilespmem:s11+$0x0]  }
0x2f: {  	[tilespmem:s0+$0x4F00] =	vst v1;
	s0 =	smov.u32 s11  }
0x30: {  	_ =	sdelay $0x2  }
0x31: {  	vm0 =	vlt.s32 v0, $0x61A800  }
0x32: {  	v0 =	vnsel vm0, $0xFFFFFFFF, v0  }
0x33: {  	[tilespmem:s0+$0x4F00] =	vst v0;
	(ifvalue) =	ssetifvalue $0xFFFFFFFF  }
0x34: {  	(ifvalue) =	ssetifvalue $0xFFFFFFFF  }
0x35: {  	[tilespmem:s17], [sflag:$0x1] =	stream.indirect.gather [hbm4b:s1+s15], $0x1, s16, s15, $0x40b8;
	[tilespmem:$0x18B00] =	vst v63  }
0x36: {  	(ifvalue) =	ssetifvalue $0xFFFFFFFF  }
0x37: {  	(ifvalue) =	ssetifvalue $0xFFFFFFFF  }
0x38: {  	[tilespmem:s18], [sflag:$0x1] =	stream.indirect.gather [hbm4b:s5+s15], $0x1, s16, s15, $0x40b8;
	[tilespmem:$0x18B00] =	vst v63  }
0x39: {  	(ifvalue) =	ssetifvalue $0xFFFFFFFF  }
0x3a: {  	s2 =	simm.s32 $0x0;
	s0 =	simm.s32 $0x0;
	(ifvalue) =	ssetifvalue $0xFFFFFFFF  }
0x3b: {  	[tilespmem:s19], [sflag:$0x1] =	stream.indirect.gather [hbm4b:s7+s15], $0x1, s16, s15, $0x40b8;
	[tilespmem:$0x18B00] =	vst v63  }
.LBB2_4:
0x3c: {  	s13 =	sshll.u32 s2, $0x6  }
0x3d: {  	s11 =	sor.u32 s13, s6  }
0x3e: {  	s11 =	smul.u32 $0x4E2, s11;
	_ =	sdelay $0x1  }
0x3f: {  	s31 =	sadd.s32 $0x9C40, s11  }
0x40: {  	s14 =	sadd.s32 s3, s31  }
0x41: {  	[tilespmem:s20], [sflag:$0x6] =	stream.linear.gather [hbm4b:s14+s0], $0x2710, $0x38;
	[tilespmem:$0x18B00] =	vst v63  }
0x42: {  	_ =	swait.ge [sflag:s21], $0x2710  }
0x43: {  	[sflag:s21] =	ssyncset.done $0x0  }
0x44: {  	s14 =	simm.s32 $0x0;
	[sflag:s21] =	ssyncadd.s32 $0xFFFFD8F0  }
0x45: {  	v0 =	vld [tilespmem:s14+$0x2780]  }
0x46: {  	s30 =	simm.s32 $0x40  }
.LBB2_5:
0x47: {  	p0 =	sne.s32 s30, $0x9C00  }
.Ltmp3:
0x48: {  	_ = 	snop;
	(pc) =	sbr.rel @p0 .LBB2_5-.Ltmp3, $4  }
0x49: {  	_ = 	snop  }
0x4a: {  	s12 =	sshra.s32 s30, $0x2;
	s30 =	sadd.s32 $0x40, s30;
	vm0 =	vlt.s32 v0, $0x61A800  }
0x4b: {  	v1 =	vnsel vm0, $0xFFFFFFFF, v0;
	v0 =	vld [tilespmem:s12+$0x2780]  }
0x4c: {  	[tilespmem:s14+$0x7680] =	vst v1;
	s14 =	smov.u32 s12  }
0x4d: {  	_ =	sdelay $0x2  }
0x4e: {  	vm0 =	vlt.s32 v0, $0x61A800  }
0x4f: {  	p0 =	seq.s32 s2, $0x0;
	v0 =	vnsel vm0, $0xFFFFFFFF, v0  }
0x50: {  	s12 =	simm.s32 @!p0 $0x4;
	[tilespmem:s14+$0x7680] =	vst v0  }
0x51: {  	_ =	swait.ge @!p0 [sflag:s12], $0x2710  }
0x52: {  	[sflag:s12] =	ssyncset.done @!p0 $0x0  }
0x53: {  	[sflag:s12] =	ssyncadd.s32 @!p0 $0xFFFFD8F0  }
0x54: {  	_ =	swait.ge @!p0 [sflag:s12], $0x2710  }
0x55: {  	[sflag:s12] =	ssyncset.done @!p0 $0x0  }
0x56: {  	[sflag:s12] =	ssyncadd.s32 @!p0 $0xFFFFD8F0  }
0x57: {  	_ =	swait.ge @!p0 [sflag:s12], $0x2710  }
0x58: {  	[sflag:s12] =	ssyncset.done @!p0 $0x0  }
0x59: {  	[sflag:s12] =	ssyncadd.s32 @!p0 $0xFFFFD8F0;
	(ifvalue) =	ssetifvalue $0xFFFFFFFF  }
0x5a: {  	(ifvalue) =	ssetifvalue $0xFFFFFFFF  }
0x5b: {  	[tilespmem:s23], [sflag:$0x2] =	stream.indirect.gather [hbm4b:s1+s15], $0x1, s22, s15, $0x40b8;
	[tilespmem:$0x18B00] =	vst v63  }
0x5c: {  	(ifvalue) =	ssetifvalue $0xFFFFFFFF  }
0x5d: {  	(ifvalue) =	ssetifvalue $0xFFFFFFFF  }
0x5e: {  	[tilespmem:s24], [sflag:$0x2] =	stream.indirect.gather [hbm4b:s5+s15], $0x1, s22, s15, $0x40b8;
	[tilespmem:$0x18B00] =	vst v63  }
0x5f: {  	(ifvalue) =	ssetifvalue $0xFFFFFFFF  }
0x60: {  	(ifvalue) =	ssetifvalue $0xFFFFFFFF  }
0x61: {  	[tilespmem:s25], [sflag:$0x2] =	stream.indirect.gather [hbm4b:s7+s15], $0x1, s22, s15, $0x40b8;
	[tilespmem:$0x18B00] =	vst v63  }
0x62: {  	_ =	swait.ge [sflag:s26], $0x2710  }
0x63: {  	[sflag:s26] =	ssyncset.done $0x0  }
0x64: {  	[sflag:s26] =	ssyncadd.s32 $0xFFFFD8F0  }
0x65: {  	p0 =	seq.s32 s2, $0x4;
	_ =	swait.ge [sflag:s26], $0x2710  }
.Ltmp4:
0x66: {  	[sflag:s26] =	ssyncset.done $0x0;
	(pc) =	sbr.rel @!p0 .LBB2_7-.Ltmp4, $4  }
0x67: {  	[sflag:s26] =	ssyncadd.s32 $0xFFFFD8F0  }
0x68: {  	_ =	swait.ge [sflag:s26], $0x2710  }
0x69: {  	[sflag:s26] =	ssyncset.done $0x0  }
0x6a: {  	s14 =	sadd.s32 s8, s11;
	[sflag:s26] =	ssyncadd.s32 $0xFFFFD8F0  }
0x6b: {  	[hbm4b:s14+s4] =	stream.linear.scatter [tilespmem:s17], [sflag:$0x6], $0x2710, $0x38;
	[tilespmem:$0x18B00] =	vst v63  }
0x6c: {  	_ =	swait.ge [sflag:s21], $0x2710  }
0x6d: {  	[sflag:s21] =	ssyncset.done $0x0  }
0x6e: {  	s12 =	sadd.s32 s9, s11;
	[sflag:s21] =	ssyncadd.s32 $0xFFFFD8F0  }
0x6f: {  	[hbm4b:s12+s4] =	stream.linear.scatter [tilespmem:s18], [sflag:$0x6], $0x2710, $0x38;
	[tilespmem:$0x18B00] =	vst v63  }
0x70: {  	_ =	swait.ge [sflag:s21], $0x2710  }
0x71: {  	[sflag:s21] =	ssyncset.done $0x0  }
.Ltmp5:
0x72: {  	s30 =	sadd.s32 s10, s11;
	[sflag:s21] =	ssyncadd.s32 $0xFFFFD8F0;
	(pc) =	sbr.rel .LBB2_10-.Ltmp5, $4  }
0x73: {  	[hbm4b:s30+s4] =	stream.linear.scatter [tilespmem:s19], [sflag:$0x6], $0x2710, $0x38;
	[tilespmem:$0x18B00] =	vst v63  }
0x74: {  	_ =	swait.ge [sflag:s21], $0x2710  }
0x75: {  	[sflag:s21] =	ssyncset.done $0x0  }
0x76: {  	[sflag:s21] =	ssyncadd.s32 $0xFFFFD8F0  }
.LBB2_7:
0x77: {  	s12 =	simm.s32 $0x0  }
0x78: {  	[hbm4b:s14+s12] =	stream.linear.scatter [tilespmem:s17], [sflag:$0x3], $0x2710, $0x38;
	[tilespmem:$0x18B00] =	vst v63  }
0x79: {  	s30 =	sadd.s32 s9, s11  }
0x7a: {  	[hbm4b:s30+s12] =	stream.linear.scatter [tilespmem:s18], [sflag:$0x3], $0x2710, $0x38;
	[tilespmem:$0x18B00] =	vst v63  }
0x7b: {  	s30 =	rddreg [dreg:$0x5]  }
0x7c: {  	s13 =	sadd.s32 s30, s13  }
0x7d: {  	s14 =	sadd.s32 s10, s11;
	s13 =	smul.u32 $0x4E2, s13  }
0x7e: {  	[hbm4b:s14+s12] =	stream.linear.scatter [tilespmem:s19], [sflag:$0x3], $0x2710, $0x38;
	[tilespmem:$0x18B00] =	vst v63  }
0x7f: {  	s30 =	sadd.s32 s3, s13  }
0x80: {  	[tilespmem:s12], [sflag:$0x6] =	stream.linear.gather [hbm4b:s30+s12], $0x2710, $0x38;
	[tilespmem:$0x18B00] =	vst v63  }
0x81: {  	_ =	swait.ge [sflag:s21], $0x2710  }
0x82: {  	[sflag:s21] =	ssyncset.done $0x0  }
0x83: {  	s11 =	simm.s32 $0x0;
	[sflag:s21] =	ssyncadd.s32 $0xFFFFD8F0  }
0x84: {  	v0 =	vld [tilespmem:s11+$0x0]  }
0x85: {  	s13 =	simm.s32 $0x40  }
.LBB2_8:
0x86: {  	p1 =	sne.s32 s13, $0x9C00  }
.Ltmp6:
0x87: {  	_ = 	snop;
	(pc) =	sbr.rel @p1 .LBB2_8-.Ltmp6, $4  }
0x88: {  	_ = 	snop  }
0x89: {  	s12 =	sshra.s32 s13, $0x2;
	s13 =	sadd.s32 $0x40, s13;
	vm0 =	vlt.s32 v0, $0x61A800  }
0x8a: {  	v1 =	vnsel vm0, $0xFFFFFFFF, v0;
	v0 =	vld [tilespmem:s12+$0x0]  }
0x8b: {  	[tilespmem:s11+$0x4F00] =	vst v1;
	s11 =	smov.u32 s12  }
0x8c: {  	_ =	sdelay $0x2  }
0x8d: {  	vm0 =	vlt.s32 v0, $0x61A800  }
0x8e: {  	v0 =	vnsel vm0, $0xFFFFFFFF, v0  }
0x8f: {  	[tilespmem:s11+$0x4F00] =	vst v0  }
0x90: {  	_ =	swait.ge [sflag:s29], $0x2710  }
0x91: {  	[sflag:s29] =	ssyncset.done $0x0  }
0x92: {  	[sflag:s29] =	ssyncadd.s32 $0xFFFFD8F0  }
0x93: {  	_ =	swait.ge [sflag:s29], $0x2710  }
0x94: {  	[sflag:s29] =	ssyncset.done $0x0  }
0x95: {  	[sflag:s29] =	ssyncadd.s32 $0xFFFFD8F0  }
0x96: {  	_ =	swait.ge [sflag:s29], $0x2710  }
0x97: {  	[sflag:s29] =	ssyncset.done $0x0  }
0x98: {  	[sflag:s29] =	ssyncadd.s32 $0xFFFFD8F0;
	(ifvalue) =	ssetifvalue $0xFFFFFFFF  }
0x99: {  	(ifvalue) =	ssetifvalue $0xFFFFFFFF  }
0x9a: {  	[tilespmem:s17], [sflag:$0x1] =	stream.indirect.gather [hbm4b:s1+s15], $0x1, s16, s15, $0x40b8;
	[tilespmem:$0x18B00] =	vst v63  }
0x9b: {  	(ifvalue) =	ssetifvalue $0xFFFFFFFF  }
0x9c: {  	(ifvalue) =	ssetifvalue $0xFFFFFFFF  }
0x9d: {  	[tilespmem:s18], [sflag:$0x1] =	stream.indirect.gather [hbm4b:s5+s15], $0x1, s16, s15, $0x40b8;
	[tilespmem:$0x18B00] =	vst v63  }
0x9e: {  	(ifvalue) =	ssetifvalue $0xFFFFFFFF  }
0x9f: {  	(ifvalue) =	ssetifvalue $0xFFFFFFFF  }
0xa0: {  	[tilespmem:s19], [sflag:$0x1] =	stream.indirect.gather [hbm4b:s7+s15], $0x1, s16, s15, $0x40b8;
	[tilespmem:$0x18B00] =	vst v63  }
.LBB2_10:
0xa1: {  	_ =	swait.ge [sflag:s28], $0x2710  }
0xa2: {  	[sflag:s28] =	ssyncset.done $0x0  }
0xa3: {  	[sflag:s28] =	ssyncadd.s32 $0xFFFFD8F0  }
0xa4: {  	_ =	swait.ge [sflag:s28], $0x2710  }
.Ltmp7:
0xa5: {  	[sflag:s28] =	ssyncset.done $0x0;
	(pc) =	sbr.rel @p0 .LBB2_12-.Ltmp7, $4  }
0xa6: {  	[sflag:s28] =	ssyncadd.s32 $0xFFFFD8F0  }
0xa7: {  	_ =	swait.ge [sflag:s28], $0x2710  }
0xa8: {  	[sflag:s28] =	ssyncset.done $0x0  }
0xa9: {  	s11 =	sadd.s32 s8, s31;
	[sflag:s28] =	ssyncadd.s32 $0xFFFFD8F0  }
0xaa: {  	[hbm4b:s11+s4] =	stream.linear.scatter [tilespmem:s23], [sflag:$0x4], $0x2710, $0x38;
	[tilespmem:$0x18B00] =	vst v63  }
.Ltmp8:
0xab: {  	_ = 	snop;
	(pc) =	sbr.rel .LBB2_4-.Ltmp8, $4  }
0xac: {  	s30 =	sadd.s32 s9, s31  }
0xad: {  	[hbm4b:s30+s4] =	stream.linear.scatter [tilespmem:s24], [sflag:$0x4], $0x2710, $0x38;
	[tilespmem:$0x18B00] =	vst v63  }
0xae: {  	s31 =	sadd.s32 s10, s31;
	s2 =	sadd.s32 $0x1, s2  }
0xaf: {  	[hbm4b:s31+s4] =	stream.linear.scatter [tilespmem:s25], [sflag:$0x4], $0x2710, $0x38;
	[tilespmem:$0x18B00] =	vst v63  }
.LBB2_13:
0xb0: {  	_ =	sfence.sel $0x180000  }
0xb1: {  	[bflag:$0x0] =	sbarrier.arrive $0xFFFF  }
0xb2: {  	_ =	strace $0x9000004A  }
0xb3: {  	s0 =	stileid.u32;
	[bflag:$0x2] =	sbarrier.arrive $0xFFFF  }
0xb4: {  	p0 =	sne.s32 s0, $0x0;
	s0 =	rddreg [dreg:$0x3]  }
0xb5: {  	s0 =	sadd.s32 @!p0 $0x100000, s0  }
0xb6: {  	[sflag:s0] =	ssyncadd.tile.s32 @!p0 $0x1;
	_ =	shalt  }
.Lfunc_end2:
_tile_overlayer_lowered:
.L_overlay_start_2:
0xb7: {  	(tag) =	ssettag $0x2  }
0xb8: {  	s0 =	rddreg [dreg:$0x0];
	s2 =	stileid.u32  }
0xb9: {  	s1 =	rddreg [dreg:$0x1];
	p0 =	sne.s32 s2, $0x0  }
0xba: {  	s3 =	rddreg [dreg:$0x2];
	[bflag:$0x3] =	sbarrier.arrive $0xFFFF;
	s2 =	simm.s32 @!p0 $0x1C05  }
0xbb: {  	[timem:s3], [sflag:s2] =	dma.local @!p0 [hbm:s0], s1  }
0xbc: {  	s0 =	simm.s32 @!p0 $0x5  }
0xbd: {  	_ =	swait.ge @!p0 [sflag:s0], s1  }
0xbe: {  	s1 =	ssub.s32 @!p0 $0x0, s1;
	[sflag:s0] =	ssyncset.done @!p0 $0x0  }
0xbf: {  	[sflag:s0] =	ssyncadd.s32 @!p0 s1  }
0xc0: {  	[bflag:$0x3] =	sbarrier.arrive $0xFFFF  }
0xc1: {  	_ =	shalt  }

</sc_bundles>
